<compile_context>
chip_gen: v7x
topology: tpu7x:2x2x1
jax: 0.10.2.dev20260603
libtpu: 0.0.44.dev20260713+nightly
codegen_flags: <defaults>
</compile_context>

<pallas_src>
import functools

import jax
import jax.numpy as jnp
from jax import lax
from jax.experimental import pallas as pl
from jax.experimental.pallas import tpu as pltpu
from jax.experimental.pallas import tpu_sc as plsc

N = 10000
E = 320000
F = 128
H = 128
L = 64

NC = 2
NS = 16
NW = NC * NS
EPW = E // NW
CHUNK = 80
NCHUNK = EPW // CHUNK
RPT = 624
TAIL_OFF = RPT * NS
TAIL = N - TAIL_OFF
NP = 10240

_mesh = plsc.VectorSubcoreMesh(core_axis_name="c", subcore_axis_name="s")


@functools.partial(
    pl.kernel,
    out_type=jax.ShapeDtypeStruct((2 * NC, 1, NP), jnp.float32),
    mesh=_mesh,
    scratch_types=[
        pltpu.VMEM((NCHUNK, CHUNK), jnp.int32),
        pltpu.VMEM((NCHUNK, CHUNK), jnp.int32),
        pltpu.VMEM((CHUNK,), jnp.float32),
        pltpu.VMEM_SHARED((NP,), jnp.float32),
        pltpu.VMEM_SHARED((NP,), jnp.float32),
    ],
)
def _deg_kernel(src3_hbm, dst3_hbm, zeros1_hbm, ones1_hbm, out_hbm,
                sidx_all, didx_all, ones_v, hs, hd):
    cid = lax.axis_index("c")
    sid = lax.axis_index("s")
    wid = cid * NS + sid

    pltpu.sync_copy(src3_hbm.at[wid], sidx_all)
    pltpu.sync_copy(dst3_hbm.at[wid], didx_all)
    pltpu.sync_copy(ones1_hbm, ones_v)

    @pl.when(sid == 0)
    def _():
        pltpu.sync_copy(zeros1_hbm, hs)
        pltpu.sync_copy(zeros1_hbm, hd)

    plsc.subcore_barrier()

    def body(g, carry):
        pltpu.sync_copy(ones_v, hs.at[sidx_all.at[g]], add=True)
        pltpu.sync_copy(ones_v, hd.at[didx_all.at[g]], add=True)
        return carry

    lax.fori_loop(0, NCHUNK, body, 0)
    plsc.subcore_barrier()

    pltpu.sync_copy(hs.at[pl.ds(sid * 640, 640)], out_hbm.at[cid * 2, 0, pl.ds(sid * 640, 640)])
    pltpu.sync_copy(hd.at[pl.ds(sid * 640, 640)], out_hbm.at[cid * 2 + 1, 0, pl.ds(sid * 640, 640)])


def _inv_sqrt_deg(degp_blk, pick_even):
    rows = lax.broadcasted_iota(jnp.int32, (2 * NC, 1), 0)
    sel = (rows % 2 == (0 if pick_even else 1)).astype(jnp.float32)
    cd = (((0,), (0,)), ((), ()))
    d = lax.dot_general(degp_blk, sel, cd, preferred_element_type=jnp.float32)
    return lax.rsqrt(jnp.maximum(d, 1.0))


CCH = 80
CNCH = EPW // CCH


@functools.partial(
    pl.kernel,
    out_type=jax.ShapeDtypeStruct((NC, NP, H), jnp.float32),
    mesh=_mesh,
    scratch_types=[
        pltpu.VMEM((EPW,), jnp.int32),
        pltpu.VMEM((CNCH, CCH), jnp.int32),
        pltpu.VMEM((CCH, H), jnp.float32),
        pltpu.VMEM((CCH, H), jnp.float32),
        pltpu.VMEM_SHARED((N, H), jnp.float32),
        pltpu.SemaphoreType.DMA,
        pltpu.SemaphoreType.DMA,
    ],
)
def _edge_kernel(z_hbm, src_hbm, dst3_hbm, zrows_hbm, out_hbm,
                 sidx, didx_all, rows0, rows1, acc, sem0, sem1):
    cid = lax.axis_index("c")
    sid = lax.axis_index("s")
    wid = cid * NS + sid

    pltpu.sync_copy(src_hbm.at[pl.ds(wid * EPW, EPW)], sidx)
    pltpu.sync_copy(dst3_hbm.at[wid], didx_all)

    pltpu.sync_copy(zrows_hbm.at[pl.ds(sid * RPT, RPT)], acc.at[pl.ds(sid * RPT, RPT)])

    @pl.when(sid == 0)
    def _():
        pltpu.sync_copy(zrows_hbm.at[pl.ds(TAIL_OFF, TAIL)], acc.at[pl.ds(TAIL_OFF, TAIL)])

    plsc.subcore_barrier()

    dummy0 = pltpu.make_async_copy(zrows_hbm.at[pl.ds(0, CCH)], rows0, sem0)
    dummy1 = pltpu.make_async_copy(zrows_hbm.at[pl.ds(0, CCH)], rows1, sem1)

    pltpu.async_copy(z_hbm.at[sidx.at[pl.ds(0, CCH)]], rows0, sem0)

    def body(g, carry):
        c0 = 2 * g
        c1 = 2 * g + 1
        pltpu.async_copy(z_hbm.at[sidx.at[pl.ds(c1 * CCH, CCH)]], rows1, sem1)
        dummy0.wait()
        pltpu.sync_copy(rows0, acc.at[didx_all.at[c0]], add=True)
        pltpu.async_copy(z_hbm.at[sidx.at[pl.ds((c0 + 2) * CCH, CCH)]], rows0, sem0)
        dummy1.wait()
        pltpu.sync_copy(rows1, acc.at[didx_all.at[c1]], add=True)
        return carry

    lax.fori_loop(0, CNCH // 2, body, 0)
    dummy0.wait()
    pltpu.sync_copy(rows0, acc.at[didx_all.at[CNCH - 1]], add=True)
    plsc.subcore_barrier()

    pltpu.sync_copy(acc.at[pl.ds(sid * RPT, RPT)], out_hbm.at[cid, pl.ds(sid * RPT, RPT)])

    @pl.when(sid == 0)
    def _():
        pltpu.sync_copy(acc.at[pl.ds(TAIL_OFF, TAIL)], out_hbm.at[cid, pl.ds(TAIL_OFF, TAIL)])


BR = 2048


def _z_body(x_ref, w1_ref, degp_ref, z_ref):
    iso = _inv_sqrt_deg(degp_ref[...][:, 0, :], True)
    y = jnp.dot(x_ref[...], w1_ref[...], preferred_element_type=jnp.float32)
    z_ref[...] = y * iso


def _z_call(x, W1, degp):
    return pl.pallas_call(
        _z_body,
        grid=(NP // BR,),
        in_specs=[
            pl.BlockSpec((BR, F), lambda i: (i, 0)),
            pl.BlockSpec((F, H), lambda i: (0, 0)),
            pl.BlockSpec((2 * NC, 1, BR), lambda i: (0, 0, i)),
        ],
        out_specs=pl.BlockSpec((BR, H), lambda i: (i, 0)),
        out_shape=jax.ShapeDtypeStruct((NP, H), jnp.float32),
    )(x, W1, degp)


def _head_body(p_ref, degp_ref, x_ref, w2_ref, b1_ref, w3_ref, b3_ref, o_ref):
    agg = p_ref[0] + p_ref[1]
    isi = _inv_sqrt_deg(degp_ref[...][:, 0, :], False)
    h = agg * isi
    h = h + jnp.dot(x_ref[...], w2_ref[...], preferred_element_type=jnp.float32)
    h = h + b1_ref[...]
    h = jnp.where(h > 0, h, 0.2 * h)
    logits = jnp.dot(h, w3_ref[...], preferred_element_type=jnp.float32) + b3_ref[...]
    m = jnp.max(logits, axis=1, keepdims=True)
    ex = jnp.exp(logits - m)
    o_ref[...] = ex / jnp.sum(ex, axis=1, keepdims=True)


def _head_call(p, degp, x, W2, b1, W3, b3):
    return pl.pallas_call(
        _head_body,
        grid=(NP // BR,),
        in_specs=[
            pl.BlockSpec((NC, BR, H), lambda i: (0, i, 0)),
            pl.BlockSpec((2 * NC, 1, BR), lambda i: (0, 0, i)),
            pl.BlockSpec((BR, F), lambda i: (i, 0)),
            pl.BlockSpec((F, H), lambda i: (0, 0)),
            pl.BlockSpec((1, H), lambda i: (0, 0)),
            pl.BlockSpec((H, L), lambda i: (0, 0)),
            pl.BlockSpec((1, L), lambda i: (0, 0)),
        ],
        out_specs=pl.BlockSpec((BR, L), lambda i: (i, 0)),
        out_shape=jax.ShapeDtypeStruct((NP, L), jnp.float32),
    )(p, degp, x, W2, b1, W3, b3)


def kernel(x, edge_index, i, W1, W2, b1, W3, b3):
    del i
    src = jnp.asarray(edge_index[0], jnp.int32)
    dst = jnp.asarray(edge_index[1], jnp.int32)
    zeros_rows = jnp.zeros((N, H), jnp.float32)
    zeros_n = jnp.zeros((NP,), jnp.float32)
    ones_c = jnp.ones((CHUNK,), jnp.float32)
    src3 = src.reshape(NW, NCHUNK, CHUNK)
    dst3 = dst.reshape(NW, NCHUNK, CHUNK)

    x_pad = jnp.pad(x, ((0, NP - N), (0, 0)))

    degp = _deg_kernel(src3, dst3, zeros_n, ones_c)
    z = _z_call(x_pad, W1, degp)
    p = _edge_kernel(z, src, dst3, zeros_rows)
    out = _head_call(p, degp, x_pad, W2,
                     b1.reshape(1, H), W3, b3.reshape(1, L))
    return out[:N]

# --- scband reference (transcript-rebuilt; emitter-appended) ---
"""Pipeline reference for scband-my-first-gnn-28587302322333 (READ-ONLY COPY).

The authoritative reference and input builder live on the scoring server;
editing this copy changes nothing except your own understanding.
"""

import jax, jax.numpy as jnp
import numpy as np

N = 10000
E = 320000
F = 128
H = 128
L = 64

def setup_inputs(seed: int = 0) -> dict:
    key = jax.random.key(seed)
    ks = jax.random.split(key, 9)
    x = jax.random.normal(ks[0], (N, F), dtype=jnp.float32)
    edge_index = jax.random.randint(ks[1], (2, E), 0, N, dtype=jnp.int32).astype(jnp.int64)
    i = jnp.sort(jax.random.randint(ks[2], (N,), 0, 16, dtype=jnp.int32)).astype(jnp.int64)
    # GCSConv layer 1 params: W1 (neighbor path), W2 (skip path), b1
    W1 = jax.random.normal(ks[3], (F, H), dtype=jnp.float32) * (1.0 / np.sqrt(F))
    W2 = jax.random.normal(ks[4], (F, H), dtype=jnp.float32) * (1.0 / np.sqrt(F))
    b1 = jnp.zeros((H,), dtype=jnp.float32)
    # final dense softmax head
    W3 = jax.random.normal(ks[5], (H, L), dtype=jnp.float32) * (1.0 / np.sqrt(H))
    b3 = jnp.zeros((L,), dtype=jnp.float32)
    return {"x": x, "edge_index": edge_index, "i": i, "W1": W1, "W2": W2, "b1": b1, "W3": W3, "b3": b3}

def reference(x, edge_index, i, W1, W2, b1, W3, b3):
    # GCSConv: out = D^{-1/2} A D^{-1/2} X W1 + X W2 + b (skip connection GCN, no self-loops)
    src = edge_index[0]
    dst = edge_index[1]
    deg_out = jnp.zeros((N,), dtype=jnp.float32).at[src].add(1.0)
    deg_in = jnp.zeros((N,), dtype=jnp.float32).at[dst].add(1.0)
    inv_sqrt_out = jax.lax.rsqrt(jnp.maximum(deg_out, 1.0))
    inv_sqrt_in = jax.lax.rsqrt(jnp.maximum(deg_in, 1.0))
    w = inv_sqrt_out[src] * inv_sqrt_in[dst]
    msg = x[src] * w[:, None]
    agg = jnp.zeros((N, F), dtype=jnp.float32).at[dst].add(msg)
    h = agg @ W1 + x @ W2 + b1
    # LeakyReLU(alpha=0.2)
    h = jnp.where(h > 0, h, 0.2 * h)
    logits = h @ W3 + b3
    out = jax.nn.softmax(logits, axis=-1)
    return out

if __name__ == "__main__":
    import jax
    _d = setup_inputs()
    print(jax.jit(kernel)(*tuple(_d.values())))

</pallas_src>

<mosaic_0001>
#map = affine_map<(d0, d1) -> (0, 0, 0)>
#map1 = affine_map<(d0, d1) -> (0)>
module attributes {stable_mosaic.version = 14 : i64} {
  func.func @_deg_kernel(%arg0: i32, %arg1: i32, %arg2: memref<32x125x80xi32, #tpu.memory_space<hbm>>, %arg3: memref<32x125x80xi32, #tpu.memory_space<hbm>>, %arg4: memref<10240xf32, #tpu.memory_space<hbm>>, %arg5: memref<80xf32, #tpu.memory_space<hbm>>, %arg6: memref<4x1x10240xf32, #tpu.memory_space<hbm>>, %arg7: memref<125x80xi32, #tpu.memory_space<vmem>>, %arg8: memref<125x80xi32, #tpu.memory_space<vmem>>, %arg9: memref<80xf32, #tpu.memory_space<vmem>>, %arg10: memref<10240xf32, #tpu.memory_space<vmem_shared>>, %arg11: memref<10240xf32, #tpu.memory_space<vmem_shared>>) attributes {dimension_semantics = [#tpu.dimension_semantics<core_parallel>, #tpu.dimension_semantics<subcore_parallel>], iteration_bounds = array<i64: 2, 16>, scalar_prefetch = 0 : i64, scratch_operands = 5 : i64, tpu.core_type = #tpu.core_type<sc_vector_subcore>, window_params = [{transform_indices = #map}, {transform_indices = #map}, {transform_indices = #map1}, {transform_indices = #map1}, {transform_indices = #map}]} {
    %mul3A = arith.constant 16 : i32
    %mul3A_0 = arith.muli %arg0, %mul3A : i32
    %add3A = arith.addi %mul3A_0, %arg1 : i32
    "tpu.region"() ({
      %run_scoped3A_24 = tpu.sem_alloc : memref<!tpu.dma_semaphore, #tpu.memory_space<semaphore_mem>>
      %dma_start3A = arith.constant 0 : i32
      %dma_start3A_25 = arith.constant 0 : i32
      %dma_start3A_26 = tpu.memref_slice %arg2[%add3A, %dma_start3A, %dma_start3A_25] : memref<32x125x80xi32, #tpu.memory_space<hbm>> -> memref<1x125x80xi32, #tpu.memory_space<hbm>>
      %dma_start3A_27 = tpu.memref_squeeze %dma_start3A_26 : memref<1x125x80xi32, #tpu.memory_space<hbm>> -> memref<125x80xi32, #tpu.memory_space<hbm>>
      %dma_start3A_28 = arith.constant 0 : i32
      %dma_start3A_29 = arith.constant 0 : i32
      %dma_start3A_30 = tpu.memref_slice %arg2[%add3A, %dma_start3A_28, %dma_start3A_29] : memref<32x125x80xi32, #tpu.memory_space<hbm>> -> memref<1x125x80xi32, #tpu.memory_space<hbm>>
      %dma_start3A_31 = tpu.memref_squeeze %dma_start3A_30 : memref<1x125x80xi32, #tpu.memory_space<hbm>> -> memref<125x80xi32, #tpu.memory_space<hbm>>
      tpu.enqueue_dma source(%dma_start3A_31 : memref<125x80xi32, #tpu.memory_space<hbm>>) target(%arg7 : memref<125x80xi32, #tpu.memory_space<vmem>>) target_semaphore(%run_scoped3A_24 : memref<!tpu.dma_semaphore, #tpu.memory_space<semaphore_mem>>)
      %dma_wait3A = arith.constant 0 : i32
      %dma_wait3A_32 = arith.constant 0 : i32
      %dma_wait3A_33 = tpu.memref_slice %arg2[%add3A, %dma_wait3A, %dma_wait3A_32] : memref<32x125x80xi32, #tpu.memory_space<hbm>> -> memref<1x125x80xi32, #tpu.memory_space<hbm>>
      %dma_wait3A_34 = tpu.memref_squeeze %dma_wait3A_33 : memref<1x125x80xi32, #tpu.memory_space<hbm>> -> memref<125x80xi32, #tpu.memory_space<hbm>>
      %dma_wait3A_35 = arith.constant 0 : i32
      %dma_wait3A_36 = arith.constant 0 : i32
      %dma_wait3A_37 = tpu.memref_slice %arg2[%add3A, %dma_wait3A_35, %dma_wait3A_36] : memref<32x125x80xi32, #tpu.memory_space<hbm>> -> memref<1x125x80xi32, #tpu.memory_space<hbm>>
      %dma_wait3A_38 = tpu.memref_squeeze %dma_wait3A_37 : memref<1x125x80xi32, #tpu.memory_space<hbm>> -> memref<125x80xi32, #tpu.memory_space<hbm>>
      tpu.wait_dma2 semaphore(%run_scoped3A_24 : memref<!tpu.dma_semaphore, #tpu.memory_space<semaphore_mem>>) src(%dma_wait3A_38 : memref<125x80xi32, #tpu.memory_space<hbm>>) dst(%arg7 : memref<125x80xi32, #tpu.memory_space<vmem>>)
      tpu.yield
    }) : () -> ()
    "tpu.region"() ({
      %run_scoped3A_24 = tpu.sem_alloc : memref<!tpu.dma_semaphore, #tpu.memory_space<semaphore_mem>>
      %dma_start3A = arith.constant 0 : i32
      %dma_start3A_25 = arith.constant 0 : i32
      %dma_start3A_26 = tpu.memref_slice %arg3[%add3A, %dma_start3A, %dma_start3A_25] : memref<32x125x80xi32, #tpu.memory_space<hbm>> -> memref<1x125x80xi32, #tpu.memory_space<hbm>>
      %dma_start3A_27 = tpu.memref_squeeze %dma_start3A_26 : memref<1x125x80xi32, #tpu.memory_space<hbm>> -> memref<125x80xi32, #tpu.memory_space<hbm>>
      %dma_start3A_28 = arith.constant 0 : i32
      %dma_start3A_29 = arith.constant 0 : i32
      %dma_start3A_30 = tpu.memref_slice %arg3[%add3A, %dma_start3A_28, %dma_start3A_29] : memref<32x125x80xi32, #tpu.memory_space<hbm>> -> memref<1x125x80xi32, #tpu.memory_space<hbm>>
      %dma_start3A_31 = tpu.memref_squeeze %dma_start3A_30 : memref<1x125x80xi32, #tpu.memory_space<hbm>> -> memref<125x80xi32, #tpu.memory_space<hbm>>
      tpu.enqueue_dma source(%dma_start3A_31 : memref<125x80xi32, #tpu.memory_space<hbm>>) target(%arg8 : memref<125x80xi32, #tpu.memory_space<vmem>>) target_semaphore(%run_scoped3A_24 : memref<!tpu.dma_semaphore, #tpu.memory_space<semaphore_mem>>)
      %dma_wait3A = arith.constant 0 : i32
      %dma_wait3A_32 = arith.constant 0 : i32
      %dma_wait3A_33 = tpu.memref_slice %arg3[%add3A, %dma_wait3A, %dma_wait3A_32] : memref<32x125x80xi32, #tpu.memory_space<hbm>> -> memref<1x125x80xi32, #tpu.memory_space<hbm>>
      %dma_wait3A_34 = tpu.memref_squeeze %dma_wait3A_33 : memref<1x125x80xi32, #tpu.memory_space<hbm>> -> memref<125x80xi32, #tpu.memory_space<hbm>>
      %dma_wait3A_35 = arith.constant 0 : i32
      %dma_wait3A_36 = arith.constant 0 : i32
      %dma_wait3A_37 = tpu.memref_slice %arg3[%add3A, %dma_wait3A_35, %dma_wait3A_36] : memref<32x125x80xi32, #tpu.memory_space<hbm>> -> memref<1x125x80xi32, #tpu.memory_space<hbm>>
      %dma_wait3A_38 = tpu.memref_squeeze %dma_wait3A_37 : memref<1x125x80xi32, #tpu.memory_space<hbm>> -> memref<125x80xi32, #tpu.memory_space<hbm>>
      tpu.wait_dma2 semaphore(%run_scoped3A_24 : memref<!tpu.dma_semaphore, #tpu.memory_space<semaphore_mem>>) src(%dma_wait3A_38 : memref<125x80xi32, #tpu.memory_space<hbm>>) dst(%arg8 : memref<125x80xi32, #tpu.memory_space<vmem>>)
      tpu.yield
    }) : () -> ()
    "tpu.region"() ({
      %run_scoped3A_24 = tpu.sem_alloc : memref<!tpu.dma_semaphore, #tpu.memory_space<semaphore_mem>>
      tpu.enqueue_dma source(%arg5 : memref<80xf32, #tpu.memory_space<hbm>>) target(%arg9 : memref<80xf32, #tpu.memory_space<vmem>>) target_semaphore(%run_scoped3A_24 : memref<!tpu.dma_semaphore, #tpu.memory_space<semaphore_mem>>)
      tpu.wait_dma2 semaphore(%run_scoped3A_24 : memref<!tpu.dma_semaphore, #tpu.memory_space<semaphore_mem>>) src(%arg5 : memref<80xf32, #tpu.memory_space<hbm>>) dst(%arg9 : memref<80xf32, #tpu.memory_space<vmem>>)
      tpu.yield
    }) : () -> ()
    %eq3A = arith.constant 0 : i32
    %eq3A_1 = arith.cmpi eq, %arg1, %eq3A : i32
    %convert_element_type3A = arith.extui %eq3A_1 : i1 to i32
    %cond3A = arith.constant 0 : i32
    %cond3A_2 = arith.cmpi ne, %convert_element_type3A, %cond3A : i32
    scf.if %cond3A_2 {
      "tpu.region"() ({
        %run_scoped3A_24 = tpu.sem_alloc : memref<!tpu.dma_semaphore, #tpu.memory_space<semaphore_mem>>
        tpu.enqueue_dma source(%arg4 : memref<10240xf32, #tpu.memory_space<hbm>>) target(%arg10 : memref<10240xf32, #tpu.memory_space<vmem_shared>>) target_semaphore(%run_scoped3A_24 : memref<!tpu.dma_semaphore, #tpu.memory_space<semaphore_mem>>)
        tpu.wait_dma2 semaphore(%run_scoped3A_24 : memref<!tpu.dma_semaphore, #tpu.memory_space<semaphore_mem>>) src(%arg4 : memref<10240xf32, #tpu.memory_space<hbm>>) dst(%arg10 : memref<10240xf32, #tpu.memory_space<vmem_shared>>)
        tpu.yield
      }) : () -> ()
      "tpu.region"() ({
        %run_scoped3A_24 = tpu.sem_alloc : memref<!tpu.dma_semaphore, #tpu.memory_space<semaphore_mem>>
        tpu.enqueue_dma source(%arg4 : memref<10240xf32, #tpu.memory_space<hbm>>) target(%arg11 : memref<10240xf32, #tpu.memory_space<vmem_shared>>) target_semaphore(%run_scoped3A_24 : memref<!tpu.dma_semaphore, #tpu.memory_space<semaphore_mem>>)
        tpu.wait_dma2 semaphore(%run_scoped3A_24 : memref<!tpu.dma_semaphore, #tpu.memory_space<semaphore_mem>>) src(%arg4 : memref<10240xf32, #tpu.memory_space<hbm>>) dst(%arg11 : memref<10240xf32, #tpu.memory_space<vmem_shared>>)
        tpu.yield
      }) : () -> ()
    } else {
    }
    %barrier3A = arith.constant 0 : index
    tpu.barrier barrier_id(%barrier3A)
    %scan3A = arith.constant 0 : i32
    %scan3A_3 = arith.constant 0 : i32
    %scan3A_4 = arith.constant 125 : i32
    %scan3A_5 = arith.addi %scan3A_3, %scan3A_4 : i32
    %scan3A_6 = arith.constant 1 : i32
    scf.for %scan3A_24 = %scan3A_3 to %scan3A_5 step %scan3A_6  : i32 {
      "tpu.region"() ({
        %run_scoped3A_25 = tpu.sem_alloc : memref<!tpu.dma_semaphore, #tpu.memory_space<semaphore_mem>>
        %dma_start3A = arith.constant 0 : i32
        %dma_start3A_26 = tpu.memref_slice %arg7[%scan3A_24, %dma_start3A] : memref<125x80xi32, #tpu.memory_space<vmem>> -> memref<1x80xi32, #tpu.memory_space<vmem>>
        %dma_start3A_27 = tpu.memref_squeeze %dma_start3A_26 : memref<1x80xi32, #tpu.memory_space<vmem>> -> memref<80xi32, #tpu.memory_space<vmem>>
        %dma_start3A_28 = arith.constant 0 : i32
        %dma_start3A_29 = tpu.memref_slice %arg10[%dma_start3A_28] : memref<10240xf32, #tpu.memory_space<vmem_shared>> -> memref<10240xf32, #tpu.memory_space<vmem_shared>>
        tpu.enqueue_indirect_dma source(%arg9 : memref<80xf32, #tpu.memory_space<vmem>>) target(%dma_start3A_29 : memref<10240xf32, #tpu.memory_space<vmem_shared>>) offsets(%dma_start3A_27 : memref<80xi32, #tpu.memory_space<vmem>>) semaphore(%run_scoped3A_25 : memref<!tpu.dma_semaphore, #tpu.memory_space<semaphore_mem>>) {add = true}
        %dma_wait3A = arith.constant 0 : i32
        %dma_wait3A_30 = tpu.memref_slice %arg7[%scan3A_24, %dma_wait3A] : memref<125x80xi32, #tpu.memory_space<vmem>> -> memref<1x80xi32, #tpu.memory_space<vmem>>
        %dma_wait3A_31 = tpu.memref_squeeze %dma_wait3A_30 : memref<1x80xi32, #tpu.memory_space<vmem>> -> memref<80xi32, #tpu.memory_space<vmem>>
        %dma_wait3A_32 = arith.constant 0 : i32
        %dma_wait3A_33 = tpu.memref_slice %arg10[%dma_wait3A_32] : memref<10240xf32, #tpu.memory_space<vmem_shared>> -> memref<10240xf32, #tpu.memory_space<vmem_shared>>
        tpu.wait_indirect_dma semaphore(%run_scoped3A_25 : memref<!tpu.dma_semaphore, #tpu.memory_space<semaphore_mem>>) src(%arg9 : memref<80xf32, #tpu.memory_space<vmem>>) dst(%dma_wait3A_33 : memref<10240xf32, #tpu.memory_space<vmem_shared>>)
        tpu.yield
      }) : () -> ()
      "tpu.region"() ({
        %run_scoped3A_25 = tpu.sem_alloc : memref<!tpu.dma_semaphore, #tpu.memory_space<semaphore_mem>>
        %dma_start3A = arith.constant 0 : i32
        %dma_start3A_26 = tpu.memref_slice %arg8[%scan3A_24, %dma_start3A] : memref<125x80xi32, #tpu.memory_space<vmem>> -> memref<1x80xi32, #tpu.memory_space<vmem>>
        %dma_start3A_27 = tpu.memref_squeeze %dma_start3A_26 : memref<1x80xi32, #tpu.memory_space<vmem>> -> memref<80xi32, #tpu.memory_space<vmem>>
        %dma_start3A_28 = arith.constant 0 : i32
        %dma_start3A_29 = tpu.memref_slice %arg11[%dma_start3A_28] : memref<10240xf32, #tpu.memory_space<vmem_shared>> -> memref<10240xf32, #tpu.memory_space<vmem_shared>>
        tpu.enqueue_indirect_dma source(%arg9 : memref<80xf32, #tpu.memory_space<vmem>>) target(%dma_start3A_29 : memref<10240xf32, #tpu.memory_space<vmem_shared>>) offsets(%dma_start3A_27 : memref<80xi32, #tpu.memory_space<vmem>>) semaphore(%run_scoped3A_25 : memref<!tpu.dma_semaphore, #tpu.memory_space<semaphore_mem>>) {add = true}
        %dma_wait3A = arith.constant 0 : i32
        %dma_wait3A_30 = tpu.memref_slice %arg8[%scan3A_24, %dma_wait3A] : memref<125x80xi32, #tpu.memory_space<vmem>> -> memref<1x80xi32, #tpu.memory_space<vmem>>
        %dma_wait3A_31 = tpu.memref_squeeze %dma_wait3A_30 : memref<1x80xi32, #tpu.memory_space<vmem>> -> memref<80xi32, #tpu.memory_space<vmem>>
        %dma_wait3A_32 = arith.constant 0 : i32
        %dma_wait3A_33 = tpu.memref_slice %arg11[%dma_wait3A_32] : memref<10240xf32, #tpu.memory_space<vmem_shared>> -> memref<10240xf32, #tpu.memory_space<vmem_shared>>
        tpu.wait_indirect_dma semaphore(%run_scoped3A_25 : memref<!tpu.dma_semaphore, #tpu.memory_space<semaphore_mem>>) src(%arg9 : memref<80xf32, #tpu.memory_space<vmem>>) dst(%dma_wait3A_33 : memref<10240xf32, #tpu.memory_space<vmem_shared>>)
        tpu.yield
      }) : () -> ()
    }
    %scan3A_7 = arith.constant 125 : i32
    %barrier3A_8 = arith.constant 0 : index
    tpu.barrier barrier_id(%barrier3A_8)
    %mul3A_9 = arith.constant 640 : i32
    %mul3A_10 = arith.muli %arg1, %mul3A_9 : i32
    %mul3A_11 = arith.constant 2 : i32
    %mul3A_12 = arith.muli %arg0, %mul3A_11 : i32
    %mul3A_13 = arith.constant 640 : i32
    %mul3A_14 = arith.muli %arg1, %mul3A_13 : i32
    %run_scoped3A = arith.constant 0 : i32
    "tpu.region"() ({
      %run_scoped3A_24 = tpu.sem_alloc : memref<!tpu.dma_semaphore, #tpu.memory_space<semaphore_mem>>
      %dma_start3A = tpu.memref_slice %arg6[%mul3A_12, %run_scoped3A, %mul3A_14] : memref<4x1x10240xf32, #tpu.memory_space<hbm>> -> memref<1x1x640xf32, #tpu.memory_space<hbm>>
      %dma_start3A_25 = tpu.memref_squeeze %dma_start3A : memref<1x1x640xf32, #tpu.memory_space<hbm>> -> memref<640xf32, #tpu.memory_space<hbm>>
      %dma_start3A_26 = tpu.memref_slice %arg10[%mul3A_10] : memref<10240xf32, #tpu.memory_space<vmem_shared>> -> memref<640xf32, #tpu.memory_space<vmem_shared>>
      tpu.enqueue_dma source(%dma_start3A_26 : memref<640xf32, #tpu.memory_space<vmem_shared>>) target(%dma_start3A_25 : memref<640xf32, #tpu.memory_space<hbm>>) target_semaphore(%run_scoped3A_24 : memref<!tpu.dma_semaphore, #tpu.memory_space<semaphore_mem>>)
      %dma_wait3A = tpu.memref_slice %arg6[%mul3A_12, %run_scoped3A, %mul3A_14] : memref<4x1x10240xf32, #tpu.memory_space<hbm>> -> memref<1x1x640xf32, #tpu.memory_space<hbm>>
      %dma_wait3A_27 = tpu.memref_squeeze %dma_wait3A : memref<1x1x640xf32, #tpu.memory_space<hbm>> -> memref<640xf32, #tpu.memory_space<hbm>>
      %dma_wait3A_28 = tpu.memref_slice %arg10[%mul3A_10] : memref<10240xf32, #tpu.memory_space<vmem_shared>> -> memref<640xf32, #tpu.memory_space<vmem_shared>>
      tpu.wait_dma2 semaphore(%run_scoped3A_24 : memref<!tpu.dma_semaphore, #tpu.memory_space<semaphore_mem>>) src(%dma_wait3A_28 : memref<640xf32, #tpu.memory_space<vmem_shared>>) dst(%dma_wait3A_27 : memref<640xf32, #tpu.memory_space<hbm>>)
      tpu.yield
    }) : () -> ()
    %mul3A_15 = arith.constant 640 : i32
    %mul3A_16 = arith.muli %arg1, %mul3A_15 : i32
    %mul3A_17 = arith.constant 2 : i32
    %mul3A_18 = arith.muli %arg0, %mul3A_17 : i32
    %add3A_19 = arith.constant 1 : i32
    %add3A_20 = arith.addi %mul3A_18, %add3A_19 : i32
    %mul3A_21 = arith.constant 640 : i32
    %mul3A_22 = arith.muli %arg1, %mul3A_21 : i32
    %run_scoped3A_23 = arith.constant 0 : i32
    "tpu.region"() ({
      %run_scoped3A_24 = tpu.sem_alloc : memref<!tpu.dma_semaphore, #tpu.memory_space<semaphore_mem>>
      %dma_start3A = tpu.memref_slice %arg6[%add3A_20, %run_scoped3A_23, %mul3A_22] : memref<4x1x10240xf32, #tpu.memory_space<hbm>> -> memref<1x1x640xf32, #tpu.memory_space<hbm>>
      %dma_start3A_25 = tpu.memref_squeeze %dma_start3A : memref<1x1x640xf32, #tpu.memory_space<hbm>> -> memref<640xf32, #tpu.memory_space<hbm>>
      %dma_start3A_26 = tpu.memref_slice %arg11[%mul3A_16] : memref<10240xf32, #tpu.memory_space<vmem_shared>> -> memref<640xf32, #tpu.memory_space<vmem_shared>>
      tpu.enqueue_dma source(%dma_start3A_26 : memref<640xf32, #tpu.memory_space<vmem_shared>>) target(%dma_start3A_25 : memref<640xf32, #tpu.memory_space<hbm>>) target_semaphore(%run_scoped3A_24 : memref<!tpu.dma_semaphore, #tpu.memory_space<semaphore_mem>>)
      %dma_wait3A = tpu.memref_slice %arg6[%add3A_20, %run_scoped3A_23, %mul3A_22] : memref<4x1x10240xf32, #tpu.memory_space<hbm>> -> memref<1x1x640xf32, #tpu.memory_space<hbm>>
      %dma_wait3A_27 = tpu.memref_squeeze %dma_wait3A : memref<1x1x640xf32, #tpu.memory_space<hbm>> -> memref<640xf32, #tpu.memory_space<hbm>>
      %dma_wait3A_28 = tpu.memref_slice %arg11[%mul3A_16] : memref<10240xf32, #tpu.memory_space<vmem_shared>> -> memref<640xf32, #tpu.memory_space<vmem_shared>>
      tpu.wait_dma2 semaphore(%run_scoped3A_24 : memref<!tpu.dma_semaphore, #tpu.memory_space<semaphore_mem>>) src(%dma_wait3A_28 : memref<640xf32, #tpu.memory_space<vmem_shared>>) dst(%dma_wait3A_27 : memref<640xf32, #tpu.memory_space<hbm>>)
      tpu.yield
    }) : () -> ()
    return
  }
}

#map = affine_map<(d0, d1) -> (0, 0)>
#map1 = affine_map<(d0, d1) -> (0)>
#map2 = affine_map<(d0, d1) -> (0, 0, 0)>
module attributes {stable_mosaic.version = 14 : i64} {
  func.func @_edge_kernel(%arg0: i32, %arg1: i32, %arg2: memref<10240x128xf32, #tpu.memory_space<hbm>>, %arg3: memref<320000xi32, #tpu.memory_space<hbm>>, %arg4: memref<32x125x80xi32, #tpu.memory_space<hbm>>, %arg5: memref<10000x128xf32, #tpu.memory_space<hbm>>, %arg6: memref<2x10240x128xf32, #tpu.memory_space<hbm>>, %arg7: memref<10000xi32, #tpu.memory_space<vmem>>, %arg8: memref<125x80xi32, #tpu.memory_space<vmem>>, %arg9: memref<80x128xf32, #tpu.memory_space<vmem>>, %arg10: memref<80x128xf32, #tpu.memory_space<vmem>>, %arg11: memref<10000x128xf32, #tpu.memory_space<vmem_shared>>, %arg12: memref<!tpu.dma_semaphore, #tpu.memory_space<semaphore_mem>>, %arg13: memref<!tpu.dma_semaphore, #tpu.memory_space<semaphore_mem>>) attributes {dimension_semantics = [#tpu.dimension_semantics<core_parallel>, #tpu.dimension_semantics<subcore_parallel>], iteration_bounds = array<i64: 2, 16>, scalar_prefetch = 0 : i64, scratch_operands = 7 : i64, tpu.core_type = #tpu.core_type<sc_vector_subcore>, window_params = [{transform_indices = #map}, {transform_indices = #map1}, {transform_indices = #map2}, {transform_indices = #map}, {transform_indices = #map2}]} {
    %mul3A = arith.constant 16 : i32
    %mul3A_0 = arith.muli %arg0, %mul3A : i32
    %add3A = arith.addi %mul3A_0, %arg1 : i32
    %mul3A_1 = arith.constant 10000 : i32
    %mul3A_2 = arith.muli %add3A, %mul3A_1 : i32
    "tpu.region"() ({
      %run_scoped3A_33 = tpu.sem_alloc : memref<!tpu.dma_semaphore, #tpu.memory_space<semaphore_mem>>
      %dma_start3A_34 = tpu.memref_slice %arg3[%mul3A_2] : memref<320000xi32, #tpu.memory_space<hbm>> -> memref<10000xi32, #tpu.memory_space<hbm>>
      %dma_start3A_35 = tpu.memref_slice %arg3[%mul3A_2] : memref<320000xi32, #tpu.memory_space<hbm>> -> memref<10000xi32, #tpu.memory_space<hbm>>
      tpu.enqueue_dma source(%dma_start3A_35 : memref<10000xi32, #tpu.memory_space<hbm>>) target(%arg7 : memref<10000xi32, #tpu.memory_space<vmem>>) target_semaphore(%run_scoped3A_33 : memref<!tpu.dma_semaphore, #tpu.memory_space<semaphore_mem>>)
      %dma_wait3A_36 = tpu.memref_slice %arg3[%mul3A_2] : memref<320000xi32, #tpu.memory_space<hbm>> -> memref<10000xi32, #tpu.memory_space<hbm>>
      %dma_wait3A_37 = tpu.memref_slice %arg3[%mul3A_2] : memref<320000xi32, #tpu.memory_space<hbm>> -> memref<10000xi32, #tpu.memory_space<hbm>>
      tpu.wait_dma2 semaphore(%run_scoped3A_33 : memref<!tpu.dma_semaphore, #tpu.memory_space<semaphore_mem>>) src(%dma_wait3A_37 : memref<10000xi32, #tpu.memory_space<hbm>>) dst(%arg7 : memref<10000xi32, #tpu.memory_space<vmem>>)
      tpu.yield
    }) : () -> ()
    "tpu.region"() ({
      %run_scoped3A_33 = tpu.sem_alloc : memref<!tpu.dma_semaphore, #tpu.memory_space<semaphore_mem>>
      %dma_start3A_34 = arith.constant 0 : i32
      %dma_start3A_35 = arith.constant 0 : i32
      %dma_start3A_36 = tpu.memref_slice %arg4[%add3A, %dma_start3A_34, %dma_start3A_35] : memref<32x125x80xi32, #tpu.memory_space<hbm>> -> memref<1x125x80xi32, #tpu.memory_space<hbm>>
      %dma_start3A_37 = tpu.memref_squeeze %dma_start3A_36 : memref<1x125x80xi32, #tpu.memory_space<hbm>> -> memref<125x80xi32, #tpu.memory_space<hbm>>
      %dma_start3A_38 = arith.constant 0 : i32
      %dma_start3A_39 = arith.constant 0 : i32
      %dma_start3A_40 = tpu.memref_slice %arg4[%add3A, %dma_start3A_38, %dma_start3A_39] : memref<32x125x80xi32, #tpu.memory_space<hbm>> -> memref<1x125x80xi32, #tpu.memory_space<hbm>>
      %dma_start3A_41 = tpu.memref_squeeze %dma_start3A_40 : memref<1x125x80xi32, #tpu.memory_space<hbm>> -> memref<125x80xi32, #tpu.memory_space<hbm>>
      tpu.enqueue_dma source(%dma_start3A_41 : memref<125x80xi32, #tpu.memory_space<hbm>>) target(%arg8 : memref<125x80xi32, #tpu.memory_space<vmem>>) target_semaphore(%run_scoped3A_33 : memref<!tpu.dma_semaphore, #tpu.memory_space<semaphore_mem>>)
      %dma_wait3A_42 = arith.constant 0 : i32
      %dma_wait3A_43 = arith.constant 0 : i32
      %dma_wait3A_44 = tpu.memref_slice %arg4[%add3A, %dma_wait3A_42, %dma_wait3A_43] : memref<32x125x80xi32, #tpu.memory_space<hbm>> -> memref<1x125x80xi32, #tpu.memory_space<hbm>>
      %dma_wait3A_45 = tpu.memref_squeeze %dma_wait3A_44 : memref<1x125x80xi32, #tpu.memory_space<hbm>> -> memref<125x80xi32, #tpu.memory_space<hbm>>
      %dma_wait3A_46 = arith.constant 0 : i32
      %dma_wait3A_47 = arith.constant 0 : i32
      %dma_wait3A_48 = tpu.memref_slice %arg4[%add3A, %dma_wait3A_46, %dma_wait3A_47] : memref<32x125x80xi32, #tpu.memory_space<hbm>> -> memref<1x125x80xi32, #tpu.memory_space<hbm>>
      %dma_wait3A_49 = tpu.memref_squeeze %dma_wait3A_48 : memref<1x125x80xi32, #tpu.memory_space<hbm>> -> memref<125x80xi32, #tpu.memory_space<hbm>>
      tpu.wait_dma2 semaphore(%run_scoped3A_33 : memref<!tpu.dma_semaphore, #tpu.memory_space<semaphore_mem>>) src(%dma_wait3A_49 : memref<125x80xi32, #tpu.memory_space<hbm>>) dst(%arg8 : memref<125x80xi32, #tpu.memory_space<vmem>>)
      tpu.yield
    }) : () -> ()
    %mul3A_3 = arith.constant 624 : i32
    %mul3A_4 = arith.muli %arg1, %mul3A_3 : i32
    %mul3A_5 = arith.constant 624 : i32
    %mul3A_6 = arith.muli %arg1, %mul3A_5 : i32
    "tpu.region"() ({
      %run_scoped3A_33 = tpu.sem_alloc : memref<!tpu.dma_semaphore, #tpu.memory_space<semaphore_mem>>
      %dma_start3A_34 = arith.constant 0 : i32
      %dma_start3A_35 = tpu.memref_slice %arg11[%mul3A_6, %dma_start3A_34] : memref<10000x128xf32, #tpu.memory_space<vmem_shared>> -> memref<624x128xf32, #tpu.memory_space<vmem_shared>>
      %dma_start3A_36 = arith.constant 0 : i32
      %dma_start3A_37 = tpu.memref_slice %arg5[%mul3A_4, %dma_start3A_36] : memref<10000x128xf32, #tpu.memory_space<hbm>> -> memref<624x128xf32, #tpu.memory_space<hbm>>
      tpu.enqueue_dma source(%dma_start3A_37 : memref<624x128xf32, #tpu.memory_space<hbm>>) target(%dma_start3A_35 : memref<624x128xf32, #tpu.memory_space<vmem_shared>>) target_semaphore(%run_scoped3A_33 : memref<!tpu.dma_semaphore, #tpu.memory_space<semaphore_mem>>)
      %dma_wait3A_38 = arith.constant 0 : i32
      %dma_wait3A_39 = tpu.memref_slice %arg11[%mul3A_6, %dma_wait3A_38] : memref<10000x128xf32, #tpu.memory_space<vmem_shared>> -> memref<624x128xf32, #tpu.memory_space<vmem_shared>>
      %dma_wait3A_40 = arith.constant 0 : i32
      %dma_wait3A_41 = tpu.memref_slice %arg5[%mul3A_4, %dma_wait3A_40] : memref<10000x128xf32, #tpu.memory_space<hbm>> -> memref<624x128xf32, #tpu.memory_space<hbm>>
      tpu.wait_dma2 semaphore(%run_scoped3A_33 : memref<!tpu.dma_semaphore, #tpu.memory_space<semaphore_mem>>) src(%dma_wait3A_41 : memref<624x128xf32, #tpu.memory_space<hbm>>) dst(%dma_wait3A_39 : memref<624x128xf32, #tpu.memory_space<vmem_shared>>)
      tpu.yield
    }) : () -> ()
    %eq3A = arith.constant 0 : i32
    %eq3A_7 = arith.cmpi eq, %arg1, %eq3A : i32
    %convert_element_type3A = arith.extui %eq3A_7 : i1 to i32
    %cond3A = arith.constant 0 : i32
    %cond3A_8 = arith.cmpi ne, %convert_element_type3A, %cond3A : i32
    scf.if %cond3A_8 {
      "tpu.region"() ({
        %run_scoped3A_33 = tpu.sem_alloc : memref<!tpu.dma_semaphore, #tpu.memory_space<semaphore_mem>>
        %dma_start3A_34 = arith.constant 9984 : i32
        %dma_start3A_35 = arith.constant 0 : i32
        %dma_start3A_36 = tpu.memref_slice %arg11[%dma_start3A_34, %dma_start3A_35] : memref<10000x128xf32, #tpu.memory_space<vmem_shared>> -> memref<16x128xf32, #tpu.memory_space<vmem_shared>>
        %dma_start3A_37 = arith.constant 9984 : i32
        %dma_start3A_38 = arith.constant 0 : i32
        %dma_start3A_39 = tpu.memref_slice %arg5[%dma_start3A_37, %dma_start3A_38] : memref<10000x128xf32, #tpu.memory_space<hbm>> -> memref<16x128xf32, #tpu.memory_space<hbm>>
        tpu.enqueue_dma source(%dma_start3A_39 : memref<16x128xf32, #tpu.memory_space<hbm>>) target(%dma_start3A_36 : memref<16x128xf32, #tpu.memory_space<vmem_shared>>) target_semaphore(%run_scoped3A_33 : memref<!tpu.dma_semaphore, #tpu.memory_space<semaphore_mem>>)
        %dma_wait3A_40 = arith.constant 9984 : i32
        %dma_wait3A_41 = arith.constant 0 : i32
        %dma_wait3A_42 = tpu.memref_slice %arg11[%dma_wait3A_40, %dma_wait3A_41] : memref<10000x128xf32, #tpu.memory_space<vmem_shared>> -> memref<16x128xf32, #tpu.memory_space<vmem_shared>>
        %dma_wait3A_43 = arith.constant 9984 : i32
        %dma_wait3A_44 = arith.constant 0 : i32
        %dma_wait3A_45 = tpu.memref_slice %arg5[%dma_wait3A_43, %dma_wait3A_44] : memref<10000x128xf32, #tpu.memory_space<hbm>> -> memref<16x128xf32, #tpu.memory_space<hbm>>
        tpu.wait_dma2 semaphore(%run_scoped3A_33 : memref<!tpu.dma_semaphore, #tpu.memory_space<semaphore_mem>>) src(%dma_wait3A_45 : memref<16x128xf32, #tpu.memory_space<hbm>>) dst(%dma_wait3A_42 : memref<16x128xf32, #tpu.memory_space<vmem_shared>>)
        tpu.yield
      }) : () -> ()
    } else {
    }
    %barrier3A = arith.constant 0 : index
    tpu.barrier barrier_id(%barrier3A)
    %dma_start3A = arith.constant 0 : i32
    %dma_start3A_9 = tpu.memref_slice %arg7[%dma_start3A] : memref<10000xi32, #tpu.memory_space<vmem>> -> memref<80xi32, #tpu.memory_space<vmem>>
    %dma_start3A_10 = arith.constant 0 : i32
    %dma_start3A_11 = arith.constant 0 : i32
    %dma_start3A_12 = tpu.memref_slice %arg2[%dma_start3A_10, %dma_start3A_11] : memref<10240x128xf32, #tpu.memory_space<hbm>> -> memref<10240x128xf32, #tpu.memory_space<hbm>>
    tpu.enqueue_indirect_dma source(%dma_start3A_12 : memref<10240x128xf32, #tpu.memory_space<hbm>>) target(%arg9 : memref<80x128xf32, #tpu.memory_space<vmem>>) offsets(%dma_start3A_9 : memref<80xi32, #tpu.memory_space<vmem>>) semaphore(%arg12 : memref<!tpu.dma_semaphore, #tpu.memory_space<semaphore_mem>>)
    %scan3A = arith.constant 0 : i32
    %scan3A_13 = arith.constant 0 : i32
    %scan3A_14 = arith.constant 62 : i32
    %scan3A_15 = arith.addi %scan3A_13, %scan3A_14 : i32
    %scan3A_16 = arith.constant 1 : i32
    scf.for %scan3A_33 = %scan3A_13 to %scan3A_15 step %scan3A_16  : i32 {
      %mul3A_34 = arith.constant 2 : i32
      %mul3A_35 = arith.muli %mul3A_34, %scan3A_33 : i32
      %mul3A_36 = arith.constant 2 : i32
      %mul3A_37 = arith.muli %mul3A_36, %scan3A_33 : i32
      %add3A_38 = arith.constant 1 : i32
      %add3A_39 = arith.addi %mul3A_37, %add3A_38 : i32
      %mul3A_40 = arith.constant 80 : i32
      %mul3A_41 = arith.muli %add3A_39, %mul3A_40 : i32
      %dma_start3A_42 = tpu.memref_slice %arg7[%mul3A_41] : memref<10000xi32, #tpu.memory_space<vmem>> -> memref<80xi32, #tpu.memory_space<vmem>>
      %dma_start3A_43 = arith.constant 0 : i32
      %dma_start3A_44 = arith.constant 0 : i32
      %dma_start3A_45 = tpu.memref_slice %arg2[%dma_start3A_43, %dma_start3A_44] : memref<10240x128xf32, #tpu.memory_space<hbm>> -> memref<10240x128xf32, #tpu.memory_space<hbm>>
      tpu.enqueue_indirect_dma source(%dma_start3A_45 : memref<10240x128xf32, #tpu.memory_space<hbm>>) target(%arg10 : memref<80x128xf32, #tpu.memory_space<vmem>>) offsets(%dma_start3A_42 : memref<80xi32, #tpu.memory_space<vmem>>) semaphore(%arg13 : memref<!tpu.dma_semaphore, #tpu.memory_space<semaphore_mem>>)
      %dma_wait3A_46 = arith.constant 0 : i32
      %dma_wait3A_47 = arith.constant 0 : i32
      %dma_wait3A_48 = tpu.memref_slice %arg5[%dma_wait3A_46, %dma_wait3A_47] : memref<10000x128xf32, #tpu.memory_space<hbm>> -> memref<80x128xf32, #tpu.memory_space<hbm>>
      %dma_wait3A_49 = arith.constant 0 : i32
      %dma_wait3A_50 = arith.constant 0 : i32
      %dma_wait3A_51 = tpu.memref_slice %arg5[%dma_wait3A_49, %dma_wait3A_50] : memref<10000x128xf32, #tpu.memory_space<hbm>> -> memref<80x128xf32, #tpu.memory_space<hbm>>
      tpu.wait_dma2 semaphore(%arg12 : memref<!tpu.dma_semaphore, #tpu.memory_space<semaphore_mem>>) src(%dma_wait3A_51 : memref<80x128xf32, #tpu.memory_space<hbm>>) dst(%arg9 : memref<80x128xf32, #tpu.memory_space<vmem>>)
      "tpu.region"() ({
        %run_scoped3A_66 = tpu.sem_alloc : memref<!tpu.dma_semaphore, #tpu.memory_space<semaphore_mem>>
        %dma_start3A_67 = arith.constant 0 : i32
        %dma_start3A_68 = tpu.memref_slice %arg8[%mul3A_35, %dma_start3A_67] : memref<125x80xi32, #tpu.memory_space<vmem>> -> memref<1x80xi32, #tpu.memory_space<vmem>>
        %dma_start3A_69 = tpu.memref_squeeze %dma_start3A_68 : memref<1x80xi32, #tpu.memory_space<vmem>> -> memref<80xi32, #tpu.memory_space<vmem>>
        %dma_start3A_70 = arith.constant 0 : i32
        %dma_start3A_71 = arith.constant 0 : i32
        %dma_start3A_72 = tpu.memref_slice %arg11[%dma_start3A_70, %dma_start3A_71] : memref<10000x128xf32, #tpu.memory_space<vmem_shared>> -> memref<10000x128xf32, #tpu.memory_space<vmem_shared>>
        tpu.enqueue_indirect_dma source(%arg9 : memref<80x128xf32, #tpu.memory_space<vmem>>) target(%dma_start3A_72 : memref<10000x128xf32, #tpu.memory_space<vmem_shared>>) offsets(%dma_start3A_69 : memref<80xi32, #tpu.memory_space<vmem>>) semaphore(%run_scoped3A_66 : memref<!tpu.dma_semaphore, #tpu.memory_space<semaphore_mem>>) {add = true}
        %dma_wait3A_73 = arith.constant 0 : i32
        %dma_wait3A_74 = tpu.memref_slice %arg8[%mul3A_35, %dma_wait3A_73] : memref<125x80xi32, #tpu.memory_space<vmem>> -> memref<1x80xi32, #tpu.memory_space<vmem>>
        %dma_wait3A_75 = tpu.memref_squeeze %dma_wait3A_74 : memref<1x80xi32, #tpu.memory_space<vmem>> -> memref<80xi32, #tpu.memory_space<vmem>>
        %dma_wait3A_76 = arith.constant 0 : i32
        %dma_wait3A_77 = arith.constant 0 : i32
        %dma_wait3A_78 = tpu.memref_slice %arg11[%dma_wait3A_76, %dma_wait3A_77] : memref<10000x128xf32, #tpu.memory_space<vmem_shared>> -> memref<10000x128xf32, #tpu.memory_space<vmem_shared>>
        tpu.wait_indirect_dma semaphore(%run_scoped3A_66 : memref<!tpu.dma_semaphore, #tpu.memory_space<semaphore_mem>>) src(%arg9 : memref<80x128xf32, #tpu.memory_space<vmem>>) dst(%dma_wait3A_78 : memref<10000x128xf32, #tpu.memory_space<vmem_shared>>)
        tpu.yield
      }) : () -> ()
      %add3A_52 = arith.constant 2 : i32
      %add3A_53 = arith.addi %mul3A_35, %add3A_52 : i32
      %mul3A_54 = arith.constant 80 : i32
      %mul3A_55 = arith.muli %add3A_53, %mul3A_54 : i32
      %dma_start3A_56 = tpu.memref_slice %arg7[%mul3A_55] : memref<10000xi32, #tpu.memory_space<vmem>> -> memref<80xi32, #tpu.memory_space<vmem>>
      %dma_start3A_57 = arith.constant 0 : i32
      %dma_start3A_58 = arith.constant 0 : i32
      %dma_start3A_59 = tpu.memref_slice %arg2[%dma_start3A_57, %dma_start3A_58] : memref<10240x128xf32, #tpu.memory_space<hbm>> -> memref<10240x128xf32, #tpu.memory_space<hbm>>
      tpu.enqueue_indirect_dma source(%dma_start3A_59 : memref<10240x128xf32, #tpu.memory_space<hbm>>) target(%arg9 : memref<80x128xf32, #tpu.memory_space<vmem>>) offsets(%dma_start3A_56 : memref<80xi32, #tpu.memory_space<vmem>>) semaphore(%arg12 : memref<!tpu.dma_semaphore, #tpu.memory_space<semaphore_mem>>)
      %dma_wait3A_60 = arith.constant 0 : i32
      %dma_wait3A_61 = arith.constant 0 : i32
      %dma_wait3A_62 = tpu.memref_slice %arg5[%dma_wait3A_60, %dma_wait3A_61] : memref<10000x128xf32, #tpu.memory_space<hbm>> -> memref<80x128xf32, #tpu.memory_space<hbm>>
      %dma_wait3A_63 = arith.constant 0 : i32
      %dma_wait3A_64 = arith.constant 0 : i32
      %dma_wait3A_65 = tpu.memref_slice %arg5[%dma_wait3A_63, %dma_wait3A_64] : memref<10000x128xf32, #tpu.memory_space<hbm>> -> memref<80x128xf32, #tpu.memory_space<hbm>>
      tpu.wait_dma2 semaphore(%arg13 : memref<!tpu.dma_semaphore, #tpu.memory_space<semaphore_mem>>) src(%dma_wait3A_65 : memref<80x128xf32, #tpu.memory_space<hbm>>) dst(%arg10 : memref<80x128xf32, #tpu.memory_space<vmem>>)
      "tpu.region"() ({
        %run_scoped3A_66 = tpu.sem_alloc : memref<!tpu.dma_semaphore, #tpu.memory_space<semaphore_mem>>
        %dma_start3A_67 = arith.constant 0 : i32
        %dma_start3A_68 = tpu.memref_slice %arg8[%add3A_39, %dma_start3A_67] : memref<125x80xi32, #tpu.memory_space<vmem>> -> memref<1x80xi32, #tpu.memory_space<vmem>>
        %dma_start3A_69 = tpu.memref_squeeze %dma_start3A_68 : memref<1x80xi32, #tpu.memory_space<vmem>> -> memref<80xi32, #tpu.memory_space<vmem>>
        %dma_start3A_70 = arith.constant 0 : i32
        %dma_start3A_71 = arith.constant 0 : i32
        %dma_start3A_72 = tpu.memref_slice %arg11[%dma_start3A_70, %dma_start3A_71] : memref<10000x128xf32, #tpu.memory_space<vmem_shared>> -> memref<10000x128xf32, #tpu.memory_space<vmem_shared>>
        tpu.enqueue_indirect_dma source(%arg10 : memref<80x128xf32, #tpu.memory_space<vmem>>) target(%dma_start3A_72 : memref<10000x128xf32, #tpu.memory_space<vmem_shared>>) offsets(%dma_start3A_69 : memref<80xi32, #tpu.memory_space<vmem>>) semaphore(%run_scoped3A_66 : memref<!tpu.dma_semaphore, #tpu.memory_space<semaphore_mem>>) {add = true}
        %dma_wait3A_73 = arith.constant 0 : i32
        %dma_wait3A_74 = tpu.memref_slice %arg8[%add3A_39, %dma_wait3A_73] : memref<125x80xi32, #tpu.memory_space<vmem>> -> memref<1x80xi32, #tpu.memory_space<vmem>>
        %dma_wait3A_75 = tpu.memref_squeeze %dma_wait3A_74 : memref<1x80xi32, #tpu.memory_space<vmem>> -> memref<80xi32, #tpu.memory_space<vmem>>
        %dma_wait3A_76 = arith.constant 0 : i32
        %dma_wait3A_77 = arith.constant 0 : i32
        %dma_wait3A_78 = tpu.memref_slice %arg11[%dma_wait3A_76, %dma_wait3A_77] : memref<10000x128xf32, #tpu.memory_space<vmem_shared>> -> memref<10000x128xf32, #tpu.memory_space<vmem_shared>>
        tpu.wait_indirect_dma semaphore(%run_scoped3A_66 : memref<!tpu.dma_semaphore, #tpu.memory_space<semaphore_mem>>) src(%arg10 : memref<80x128xf32, #tpu.memory_space<vmem>>) dst(%dma_wait3A_78 : memref<10000x128xf32, #tpu.memory_space<vmem_shared>>)
        tpu.yield
      }) : () -> ()
    }
    %scan3A_17 = arith.constant 62 : i32
    %dma_wait3A = arith.constant 0 : i32
    %dma_wait3A_18 = arith.constant 0 : i32
    %dma_wait3A_19 = tpu.memref_slice %arg5[%dma_wait3A, %dma_wait3A_18] : memref<10000x128xf32, #tpu.memory_space<hbm>> -> memref<80x128xf32, #tpu.memory_space<hbm>>
    %dma_wait3A_20 = arith.constant 0 : i32
    %dma_wait3A_21 = arith.constant 0 : i32
    %dma_wait3A_22 = tpu.memref_slice %arg5[%dma_wait3A_20, %dma_wait3A_21] : memref<10000x128xf32, #tpu.memory_space<hbm>> -> memref<80x128xf32, #tpu.memory_space<hbm>>
    tpu.wait_dma2 semaphore(%arg12 : memref<!tpu.dma_semaphore, #tpu.memory_space<semaphore_mem>>) src(%dma_wait3A_22 : memref<80x128xf32, #tpu.memory_space<hbm>>) dst(%arg9 : memref<80x128xf32, #tpu.memory_space<vmem>>)
    %run_scoped3A = arith.constant 124 : i32
    "tpu.region"() ({
      %run_scoped3A_33 = tpu.sem_alloc : memref<!tpu.dma_semaphore, #tpu.memory_space<semaphore_mem>>
      %dma_start3A_34 = arith.constant 0 : i32
      %dma_start3A_35 = tpu.memref_slice %arg8[%run_scoped3A, %dma_start3A_34] : memref<125x80xi32, #tpu.memory_space<vmem>> -> memref<1x80xi32, #tpu.memory_space<vmem>>
      %dma_start3A_36 = tpu.memref_squeeze %dma_start3A_35 : memref<1x80xi32, #tpu.memory_space<vmem>> -> memref<80xi32, #tpu.memory_space<vmem>>
      %dma_start3A_37 = arith.constant 0 : i32
      %dma_start3A_38 = arith.constant 0 : i32
      %dma_start3A_39 = tpu.memref_slice %arg11[%dma_start3A_37, %dma_start3A_38] : memref<10000x128xf32, #tpu.memory_space<vmem_shared>> -> memref<10000x128xf32, #tpu.memory_space<vmem_shared>>
      tpu.enqueue_indirect_dma source(%arg9 : memref<80x128xf32, #tpu.memory_space<vmem>>) target(%dma_start3A_39 : memref<10000x128xf32, #tpu.memory_space<vmem_shared>>) offsets(%dma_start3A_36 : memref<80xi32, #tpu.memory_space<vmem>>) semaphore(%run_scoped3A_33 : memref<!tpu.dma_semaphore, #tpu.memory_space<semaphore_mem>>) {add = true}
      %dma_wait3A_40 = arith.constant 0 : i32
      %dma_wait3A_41 = tpu.memref_slice %arg8[%run_scoped3A, %dma_wait3A_40] : memref<125x80xi32, #tpu.memory_space<vmem>> -> memref<1x80xi32, #tpu.memory_space<vmem>>
      %dma_wait3A_42 = tpu.memref_squeeze %dma_wait3A_41 : memref<1x80xi32, #tpu.memory_space<vmem>> -> memref<80xi32, #tpu.memory_space<vmem>>
      %dma_wait3A_43 = arith.constant 0 : i32
      %dma_wait3A_44 = arith.constant 0 : i32
      %dma_wait3A_45 = tpu.memref_slice %arg11[%dma_wait3A_43, %dma_wait3A_44] : memref<10000x128xf32, #tpu.memory_space<vmem_shared>> -> memref<10000x128xf32, #tpu.memory_space<vmem_shared>>
      tpu.wait_indirect_dma semaphore(%run_scoped3A_33 : memref<!tpu.dma_semaphore, #tpu.memory_space<semaphore_mem>>) src(%arg9 : memref<80x128xf32, #tpu.memory_space<vmem>>) dst(%dma_wait3A_45 : memref<10000x128xf32, #tpu.memory_space<vmem_shared>>)
      tpu.yield
    }) : () -> ()
    %barrier3A_23 = arith.constant 0 : index
    tpu.barrier barrier_id(%barrier3A_23)
    %mul3A_24 = arith.constant 624 : i32
    %mul3A_25 = arith.muli %arg1, %mul3A_24 : i32
    %mul3A_26 = arith.constant 624 : i32
    %mul3A_27 = arith.muli %arg1, %mul3A_26 : i32
    "tpu.region"() ({
      %run_scoped3A_33 = tpu.sem_alloc : memref<!tpu.dma_semaphore, #tpu.memory_space<semaphore_mem>>
      %dma_start3A_34 = arith.constant 0 : i32
      %dma_start3A_35 = tpu.memref_slice %arg6[%arg0, %mul3A_27, %dma_start3A_34] : memref<2x10240x128xf32, #tpu.memory_space<hbm>> -> memref<1x624x128xf32, #tpu.memory_space<hbm>>
      %dma_start3A_36 = tpu.memref_squeeze %dma_start3A_35 : memref<1x624x128xf32, #tpu.memory_space<hbm>> -> memref<624x128xf32, #tpu.memory_space<hbm>>
      %dma_start3A_37 = arith.constant 0 : i32
      %dma_start3A_38 = tpu.memref_slice %arg11[%mul3A_25, %dma_start3A_37] : memref<10000x128xf32, #tpu.memory_space<vmem_shared>> -> memref<624x128xf32, #tpu.memory_space<vmem_shared>>
      tpu.enqueue_dma source(%dma_start3A_38 : memref<624x128xf32, #tpu.memory_space<vmem_shared>>) target(%dma_start3A_36 : memref<624x128xf32, #tpu.memory_space<hbm>>) target_semaphore(%run_scoped3A_33 : memref<!tpu.dma_semaphore, #tpu.memory_space<semaphore_mem>>)
      %dma_wait3A_39 = arith.constant 0 : i32
      %dma_wait3A_40 = tpu.memref_slice %arg6[%arg0, %mul3A_27, %dma_wait3A_39] : memref<2x10240x128xf32, #tpu.memory_space<hbm>> -> memref<1x624x128xf32, #tpu.memory_space<hbm>>
      %dma_wait3A_41 = tpu.memref_squeeze %dma_wait3A_40 : memref<1x624x128xf32, #tpu.memory_space<hbm>> -> memref<624x128xf32, #tpu.memory_space<hbm>>
      %dma_wait3A_42 = arith.constant 0 : i32
      %dma_wait3A_43 = tpu.memref_slice %arg11[%mul3A_25, %dma_wait3A_42] : memref<10000x128xf32, #tpu.memory_space<vmem_shared>> -> memref<624x128xf32, #tpu.memory_space<vmem_shared>>
      tpu.wait_dma2 semaphore(%run_scoped3A_33 : memref<!tpu.dma_semaphore, #tpu.memory_space<semaphore_mem>>) src(%dma_wait3A_43 : memref<624x128xf32, #tpu.memory_space<vmem_shared>>) dst(%dma_wait3A_41 : memref<624x128xf32, #tpu.memory_space<hbm>>)
      tpu.yield
    }) : () -> ()
    %eq3A_28 = arith.constant 0 : i32
    %eq3A_29 = arith.cmpi eq, %arg1, %eq3A_28 : i32
    %convert_element_type3A_30 = arith.extui %eq3A_29 : i1 to i32
    %cond3A_31 = arith.constant 0 : i32
    %cond3A_32 = arith.cmpi ne, %convert_element_type3A_30, %cond3A_31 : i32
    scf.if %cond3A_32 {
      "tpu.region"() ({
        %run_scoped3A_33 = tpu.sem_alloc : memref<!tpu.dma_semaphore, #tpu.memory_space<semaphore_mem>>
        %dma_start3A_34 = arith.constant 9984 : i32
        %dma_start3A_35 = arith.constant 0 : i32
        %dma_start3A_36 = tpu.memref_slice %arg6[%arg0, %dma_start3A_34, %dma_start3A_35] : memref<2x10240x128xf32, #tpu.memory_space<hbm>> -> memref<1x16x128xf32, #tpu.memory_space<hbm>>
        %dma_start3A_37 = tpu.memref_squeeze %dma_start3A_36 : memref<1x16x128xf32, #tpu.memory_space<hbm>> -> memref<16x128xf32, #tpu.memory_space<hbm>>
        %dma_start3A_38 = arith.constant 9984 : i32
        %dma_start3A_39 = arith.constant 0 : i32
        %dma_start3A_40 = tpu.memref_slice %arg11[%dma_start3A_38, %dma_start3A_39] : memref<10000x128xf32, #tpu.memory_space<vmem_shared>> -> memref<16x128xf32, #tpu.memory_space<vmem_shared>>
        tpu.enqueue_dma source(%dma_start3A_40 : memref<16x128xf32, #tpu.memory_space<vmem_shared>>) target(%dma_start3A_37 : memref<16x128xf32, #tpu.memory_space<hbm>>) target_semaphore(%run_scoped3A_33 : memref<!tpu.dma_semaphore, #tpu.memory_space<semaphore_mem>>)
        %dma_wait3A_41 = arith.constant 9984 : i32
        %dma_wait3A_42 = arith.constant 0 : i32
        %dma_wait3A_43 = tpu.memref_slice %arg6[%arg0, %dma_wait3A_41, %dma_wait3A_42] : memref<2x10240x128xf32, #tpu.memory_space<hbm>> -> memref<1x16x128xf32, #tpu.memory_space<hbm>>
        %dma_wait3A_44 = tpu.memref_squeeze %dma_wait3A_43 : memref<1x16x128xf32, #tpu.memory_space<hbm>> -> memref<16x128xf32, #tpu.memory_space<hbm>>
        %dma_wait3A_45 = arith.constant 9984 : i32
        %dma_wait3A_46 = arith.constant 0 : i32
        %dma_wait3A_47 = tpu.memref_slice %arg11[%dma_wait3A_45, %dma_wait3A_46] : memref<10000x128xf32, #tpu.memory_space<vmem_shared>> -> memref<16x128xf32, #tpu.memory_space<vmem_shared>>
        tpu.wait_dma2 semaphore(%run_scoped3A_33 : memref<!tpu.dma_semaphore, #tpu.memory_space<semaphore_mem>>) src(%dma_wait3A_47 : memref<16x128xf32, #tpu.memory_space<vmem_shared>>) dst(%dma_wait3A_44 : memref<16x128xf32, #tpu.memory_space<hbm>>)
        tpu.yield
      }) : () -> ()
    } else {
    }
    return
  }
}

module attributes {stable_mosaic.version = 14 : i64} {
  func.func @_z_body(%arg0: i32, %arg1: memref<2048x128xf32, #tpu.memory_space<vmem>>, %arg2: memref<128x128xf32, #tpu.memory_space<vmem>>, %arg3: memref<4x1x2048xf32, #tpu.memory_space<vmem>>, %arg4: memref<2048x128xf32, #tpu.memory_space<vmem>>) attributes {dimension_semantics = [#tpu.dimension_semantics<arbitrary>], iteration_bounds = array<i64: 5>, scalar_prefetch = 0 : i64, scratch_operands = 0 : i64, tpu.core_type = #tpu.core_type<tc>, window_params = [{transform_indices = @transform_0, window_bounds = array<i64: 2048, 128>}, {pipeline_mode = #tpu.pipeline_mode<synchronous>, transform_indices = @transform_1, window_bounds = array<i64: 128, 128>}, {transform_indices = @transform_2, window_bounds = array<i64: 4, 1, 2048>}, {transform_indices = @transform_3, window_bounds = array<i64: 2048, 128>}]} {
    %get3A = arith.constant 0 : index
    %get3A_0 = arith.constant 0 : index
    %get3A_1 = arith.constant 0 : index
    %get3A_2 = vector.load %arg3[%get3A, %get3A_0, %get3A_1] : memref<4x1x2048xf32, #tpu.memory_space<vmem>>, vector<4x1x2048xf32>
    %squeeze3A = vector.shape_cast %get3A_2 : vector<4x1x2048xf32> to vector<4x2048xf32>
    %iota3A = tpu.iota {dimensions = array<i32: 0>} : vector<4x1xi32>
    %jit3A = arith.constant 2 : i32
    %eq3A = arith.constant 0 : i32
    %eq3A_3 = arith.cmpi eq, %jit3A, %eq3A : i32
    %jit3A_4 = arith.constant 1 : i32
    %select_n3A = arith.select %eq3A_3, %jit3A_4, %jit3A : i32
    %rem3A = vector.broadcast %select_n3A : i32 to vector<4x1xi32>
    %rem3A_5 = arith.remsi %iota3A, %rem3A : vector<4x1xi32>
    %ne3A = arith.constant 0 : i32
    %ne3A_6 = vector.broadcast %ne3A : i32 to vector<4x1xi32>
    %ne3A_7 = arith.cmpi ne, %rem3A_5, %ne3A_6 : vector<4x1xi32>
    %lt3A = arith.constant 0 : i32
    %lt3A_8 = vector.broadcast %lt3A : i32 to vector<4x1xi32>
    %lt3A_9 = arith.cmpi slt, %rem3A_5, %lt3A_8 : vector<4x1xi32>
    %lt3A_10 = arith.constant 0 : i32
    %lt3A_11 = arith.cmpi slt, %select_n3A, %lt3A_10 : i32
    %ne3A_12 = vector.broadcast %lt3A_11 : i1 to vector<4x1xi1>
    %ne3A_13 = vector.broadcast %ne3A_12 : vector<4x1xi1> to vector<4x1xi1>
    %ne3A_14 = arith.xori %lt3A_9, %ne3A_13 : vector<4x1xi1>
    %and3A = arith.andi %ne3A_14, %ne3A_7 : vector<4x1xi1>
    %add3A = vector.broadcast %select_n3A : i32 to vector<4x1xi32>
    %add3A_15 = arith.addi %rem3A_5, %add3A : vector<4x1xi32>
    %select_n3A_16 = arith.select %and3A, %add3A_15, %rem3A_5 : vector<4x1xi1>, vector<4x1xi32>
    %eq3A_17 = arith.constant 0 : i32
    %eq3A_18 = vector.broadcast %eq3A_17 : i32 to vector<4x1xi32>
    %eq3A_19 = arith.cmpi eq, %select_n3A_16, %eq3A_18 : vector<4x1xi32>
    %convert_element_type3A = arith.extui %eq3A_19 : vector<4x1xi1> to vector<4x1xi32>
    %convert_element_type3A_20 = arith.sitofp %convert_element_type3A : vector<4x1xi32> to vector<4x1xf32>
    %dot_general3A = arith.constant dense<0.000000e+00> : vector<2048x1xf32>
    %dot_general3A_21 = tpu.matmul %squeeze3A, %convert_element_type3A_20, %dot_general3A {dimension_numbers = #tpu.dot_dimension_numbers<[0], [0], [1], [1], [0, 1, 1, 1], [], []>, transpose_lhs_hint = false} : vector<4x2048xf32>, vector<4x1xf32>, vector<2048x1xf32> -> vector<2048x1xf32>
    %max3A = arith.constant 1.000000e+00 : f32
    %max3A_22 = vector.broadcast %max3A : f32 to vector<2048x1xf32>
    %max3A_23 = arith.maximumf %dot_general3A_21, %max3A_22 : vector<2048x1xf32>
    %rsqrt3A = math.rsqrt %max3A_23 : vector<2048x1xf32>
    %get3A_24 = arith.constant 0 : index
    %get3A_25 = arith.constant 0 : index
    %get3A_26 = vector.load %arg1[%get3A_24, %get3A_25] : memref<2048x128xf32, #tpu.memory_space<vmem>>, vector<2048x128xf32>
    %get3A_27 = arith.constant 0 : index
    %get3A_28 = arith.constant 0 : index
    %get3A_29 = vector.load %arg2[%get3A_27, %get3A_28] : memref<128x128xf32, #tpu.memory_space<vmem>>, vector<128x128xf32>
    %dot_general3A_30 = arith.constant dense<0.000000e+00> : vector<2048x128xf32>
    %dot_general3A_31 = tpu.matmul %get3A_26, %get3A_29, %dot_general3A_30 {dimension_numbers = #tpu.dot_dimension_numbers<[1], [0], [0], [1], [0, 0, 1, 1], [], []>, transpose_lhs_hint = false} : vector<2048x128xf32>, vector<128x128xf32>, vector<2048x128xf32> -> vector<2048x128xf32>
    %mul3A = vector.broadcast %rsqrt3A : vector<2048x1xf32> to vector<2048x128xf32>
    %mul3A_32 = arith.mulf %dot_general3A_31, %mul3A : vector<2048x128xf32>
    %swap3A = arith.constant 0 : index
    %swap3A_33 = arith.constant 0 : index
    %swap3A_34 = vector.load %arg4[%swap3A, %swap3A_33] : memref<2048x128xf32, #tpu.memory_space<vmem>>, vector<2048x128xf32>
    tpu.vector_store %arg4[%swap3A, %swap3A_33], %mul3A_32 {strides = array<i32>} : memref<2048x128xf32, #tpu.memory_space<vmem>>, vector<2048x128xf32>,
    return
  }
  func.func @transform_0(%arg0: i32) -> (i32, i32) {
    %c0_i32 = arith.constant 0 : i32
    %c0_i32_0 = arith.constant 0 : i32
    return %arg0, %c0_i32 : i32, i32
  }
  func.func @transform_1(%arg0: i32) -> (i32, i32) {
    %c0_i32 = arith.constant 0 : i32
    %c0_i32_0 = arith.constant 0 : i32
    %c0_i32_1 = arith.constant 0 : i32
    return %c0_i32, %c0_i32_0 : i32, i32
  }
  func.func @transform_2(%arg0: i32) -> (i32, i32, i32) {
    %c0_i32 = arith.constant 0 : i32
    %c0_i32_0 = arith.constant 0 : i32
    %c0_i32_1 = arith.constant 0 : i32
    return %c0_i32, %c0_i32_0, %arg0 : i32, i32, i32
  }
  func.func @transform_3(%arg0: i32) -> (i32, i32) {
    %c0_i32 = arith.constant 0 : i32
    %c0_i32_0 = arith.constant 0 : i32
    return %arg0, %c0_i32 : i32, i32
  }
}

module attributes {stable_mosaic.version = 14 : i64} {
  func.func @_head_body(%arg0: i32, %arg1: memref<2x2048x128xf32, #tpu.memory_space<vmem>>, %arg2: memref<4x1x2048xf32, #tpu.memory_space<vmem>>, %arg3: memref<2048x128xf32, #tpu.memory_space<vmem>>, %arg4: memref<128x128xf32, #tpu.memory_space<vmem>>, %arg5: memref<1x128xf32, #tpu.memory_space<vmem>>, %arg6: memref<128x64xf32, #tpu.memory_space<vmem>>, %arg7: memref<1x64xf32, #tpu.memory_space<vmem>>, %arg8: memref<2048x64xf32, #tpu.memory_space<vmem>>) attributes {dimension_semantics = [#tpu.dimension_semantics<arbitrary>], iteration_bounds = array<i64: 5>, scalar_prefetch = 0 : i64, scratch_operands = 0 : i64, tpu.core_type = #tpu.core_type<tc>, window_params = [{transform_indices = @transform_0, window_bounds = array<i64: 2, 2048, 128>}, {transform_indices = @transform_1, window_bounds = array<i64: 4, 1, 2048>}, {transform_indices = @transform_2, window_bounds = array<i64: 2048, 128>}, {pipeline_mode = #tpu.pipeline_mode<synchronous>, transform_indices = @transform_3, window_bounds = array<i64: 128, 128>}, {pipeline_mode = #tpu.pipeline_mode<synchronous>, transform_indices = @transform_4, window_bounds = array<i64: 1, 128>}, {pipeline_mode = #tpu.pipeline_mode<synchronous>, transform_indices = @transform_5, window_bounds = array<i64: 128, 64>}, {pipeline_mode = #tpu.pipeline_mode<synchronous>, transform_indices = @transform_6, window_bounds = array<i64: 1, 64>}, {transform_indices = @transform_7, window_bounds = array<i64: 2048, 64>}]} {
    %get3A = arith.constant 0 : index
    %get3A_0 = arith.constant 0 : index
    %get3A_1 = arith.constant 0 : index
    %get3A_2 = vector.load %arg1[%get3A, %get3A_0, %get3A_1] : memref<2x2048x128xf32, #tpu.memory_space<vmem>>, vector<1x2048x128xf32>
    %get3A_3 = vector.shape_cast %get3A_2 : vector<1x2048x128xf32> to vector<2048x128xf32>
    %get3A_4 = arith.constant 1 : index
    %get3A_5 = arith.constant 0 : index
    %get3A_6 = arith.constant 0 : index
    %get3A_7 = vector.load %arg1[%get3A_4, %get3A_5, %get3A_6] : memref<2x2048x128xf32, #tpu.memory_space<vmem>>, vector<1x2048x128xf32>
    %get3A_8 = vector.shape_cast %get3A_7 : vector<1x2048x128xf32> to vector<2048x128xf32>
    %add3A = arith.addf %get3A_3, %get3A_8 : vector<2048x128xf32>
    %get3A_9 = arith.constant 0 : index
    %get3A_10 = arith.constant 0 : index
    %get3A_11 = arith.constant 0 : index
    %get3A_12 = vector.load %arg2[%get3A_9, %get3A_10, %get3A_11] : memref<4x1x2048xf32, #tpu.memory_space<vmem>>, vector<4x1x2048xf32>
    %squeeze3A = vector.shape_cast %get3A_12 : vector<4x1x2048xf32> to vector<4x2048xf32>
    %iota3A = tpu.iota {dimensions = array<i32: 0>} : vector<4x1xi32>
    %jit3A = arith.constant 2 : i32
    %eq3A = arith.constant 0 : i32
    %eq3A_13 = arith.cmpi eq, %jit3A, %eq3A : i32
    %jit3A_14 = arith.constant 1 : i32
    %select_n3A = arith.select %eq3A_13, %jit3A_14, %jit3A : i32
    %rem3A = vector.broadcast %select_n3A : i32 to vector<4x1xi32>
    %rem3A_15 = arith.remsi %iota3A, %rem3A : vector<4x1xi32>
    %ne3A = arith.constant 0 : i32
    %ne3A_16 = vector.broadcast %ne3A : i32 to vector<4x1xi32>
    %ne3A_17 = arith.cmpi ne, %rem3A_15, %ne3A_16 : vector<4x1xi32>
    %lt3A = arith.constant 0 : i32
    %lt3A_18 = vector.broadcast %lt3A : i32 to vector<4x1xi32>
    %lt3A_19 = arith.cmpi slt, %rem3A_15, %lt3A_18 : vector<4x1xi32>
    %lt3A_20 = arith.constant 0 : i32
    %lt3A_21 = arith.cmpi slt, %select_n3A, %lt3A_20 : i32
    %ne3A_22 = vector.broadcast %lt3A_21 : i1 to vector<4x1xi1>
    %ne3A_23 = vector.broadcast %ne3A_22 : vector<4x1xi1> to vector<4x1xi1>
    %ne3A_24 = arith.xori %lt3A_19, %ne3A_23 : vector<4x1xi1>
    %and3A = arith.andi %ne3A_24, %ne3A_17 : vector<4x1xi1>
    %add3A_25 = vector.broadcast %select_n3A : i32 to vector<4x1xi32>
    %add3A_26 = arith.addi %rem3A_15, %add3A_25 : vector<4x1xi32>
    %select_n3A_27 = arith.select %and3A, %add3A_26, %rem3A_15 : vector<4x1xi1>, vector<4x1xi32>
    %eq3A_28 = arith.constant 1 : i32
    %eq3A_29 = vector.broadcast %eq3A_28 : i32 to vector<4x1xi32>
    %eq3A_30 = arith.cmpi eq, %select_n3A_27, %eq3A_29 : vector<4x1xi32>
    %convert_element_type3A = arith.extui %eq3A_30 : vector<4x1xi1> to vector<4x1xi32>
    %convert_element_type3A_31 = arith.sitofp %convert_element_type3A : vector<4x1xi32> to vector<4x1xf32>
    %dot_general3A = arith.constant dense<0.000000e+00> : vector<2048x1xf32>
    %dot_general3A_32 = tpu.matmul %squeeze3A, %convert_element_type3A_31, %dot_general3A {dimension_numbers = #tpu.dot_dimension_numbers<[0], [0], [1], [1], [0, 1, 1, 1], [], []>, transpose_lhs_hint = false} : vector<4x2048xf32>, vector<4x1xf32>, vector<2048x1xf32> -> vector<2048x1xf32>
    %max3A = arith.constant 1.000000e+00 : f32
    %max3A_33 = vector.broadcast %max3A : f32 to vector<2048x1xf32>
    %max3A_34 = arith.maximumf %dot_general3A_32, %max3A_33 : vector<2048x1xf32>
    %rsqrt3A = math.rsqrt %max3A_34 : vector<2048x1xf32>
    %mul3A = vector.broadcast %rsqrt3A : vector<2048x1xf32> to vector<2048x128xf32>
    %mul3A_35 = arith.mulf %add3A, %mul3A : vector<2048x128xf32>
    %get3A_36 = arith.constant 0 : index
    %get3A_37 = arith.constant 0 : index
    %get3A_38 = vector.load %arg3[%get3A_36, %get3A_37] : memref<2048x128xf32, #tpu.memory_space<vmem>>, vector<2048x128xf32>
    %get3A_39 = arith.constant 0 : index
    %get3A_40 = arith.constant 0 : index
    %get3A_41 = vector.load %arg4[%get3A_39, %get3A_40] : memref<128x128xf32, #tpu.memory_space<vmem>>, vector<128x128xf32>
    %dot_general3A_42 = arith.constant dense<0.000000e+00> : vector<2048x128xf32>
    %dot_general3A_43 = tpu.matmul %get3A_38, %get3A_41, %dot_general3A_42 {dimension_numbers = #tpu.dot_dimension_numbers<[1], [0], [0], [1], [0, 0, 1, 1], [], []>, transpose_lhs_hint = false} : vector<2048x128xf32>, vector<128x128xf32>, vector<2048x128xf32> -> vector<2048x128xf32>
    %add3A_44 = arith.addf %mul3A_35, %dot_general3A_43 : vector<2048x128xf32>
    %get3A_45 = arith.constant 0 : index
    %get3A_46 = arith.constant 0 : index
    %get3A_47 = vector.load %arg5[%get3A_45, %get3A_46] : memref<1x128xf32, #tpu.memory_space<vmem>>, vector<1x128xf32>
    %add3A_48 = vector.broadcast %get3A_47 : vector<1x128xf32> to vector<2048x128xf32>
    %add3A_49 = arith.addf %add3A_44, %add3A_48 : vector<2048x128xf32>
    %gt3A = arith.constant 0.000000e+00 : f32
    %gt3A_50 = vector.broadcast %gt3A : f32 to vector<2048x128xf32>
    %gt3A_51 = arith.cmpf ogt, %add3A_49, %gt3A_50 : vector<2048x128xf32>
    %mul3A_52 = arith.constant 2.000000e-01 : f32
    %mul3A_53 = vector.broadcast %mul3A_52 : f32 to vector<2048x128xf32>
    %mul3A_54 = arith.mulf %mul3A_53, %add3A_49 : vector<2048x128xf32>
    %select_n3A_55 = arith.select %gt3A_51, %add3A_49, %mul3A_54 : vector<2048x128xi1>, vector<2048x128xf32>
    %get3A_56 = arith.constant 0 : index
    %get3A_57 = arith.constant 0 : index
    %get3A_58 = vector.load %arg6[%get3A_56, %get3A_57] : memref<128x64xf32, #tpu.memory_space<vmem>>, vector<128x64xf32>
    %dot_general3A_59 = arith.constant dense<0.000000e+00> : vector<2048x64xf32>
    %dot_general3A_60 = tpu.matmul %select_n3A_55, %get3A_58, %dot_general3A_59 {dimension_numbers = #tpu.dot_dimension_numbers<[1], [0], [0], [1], [0, 0, 1, 1], [], []>, transpose_lhs_hint = false} : vector<2048x128xf32>, vector<128x64xf32>, vector<2048x64xf32> -> vector<2048x64xf32>
    %get3A_61 = arith.constant 0 : index
    %get3A_62 = arith.constant 0 : index
    %get3A_63 = vector.load %arg7[%get3A_61, %get3A_62] : memref<1x64xf32, #tpu.memory_space<vmem>>, vector<1x64xf32>
    %add3A_64 = vector.broadcast %get3A_63 : vector<1x64xf32> to vector<2048x64xf32>
    %add3A_65 = arith.addf %dot_general3A_60, %add3A_64 : vector<2048x64xf32>
    %reduce_max3A = arith.constant dense<0xFF800000> : vector<2048xf32>
    %reduce_max3A_66 = vector.multi_reduction <maximumf>, %add3A_65, %reduce_max3A [1] : vector<2048x64xf32> to vector<2048xf32>
    %broadcast_in_dim3A = vector.shape_cast %reduce_max3A_66 : vector<2048xf32> to vector<2048x1xf32>
    %sub3A = vector.broadcast %broadcast_in_dim3A : vector<2048x1xf32> to vector<2048x64xf32>
    %sub3A_67 = arith.subf %add3A_65, %sub3A : vector<2048x64xf32>
    %exp3A = math.exp %sub3A_67 : vector<2048x64xf32>
    %reduce_sum3A = arith.constant dense<0.000000e+00> : vector<2048xf32>
    %reduce_sum3A_68 = vector.multi_reduction <add>, %exp3A, %reduce_sum3A [1] : vector<2048x64xf32> to vector<2048xf32>
    %broadcast_in_dim3A_69 = vector.shape_cast %reduce_sum3A_68 : vector<2048xf32> to vector<2048x1xf32>
    %div3A = vector.broadcast %broadcast_in_dim3A_69 : vector<2048x1xf32> to vector<2048x64xf32>
    %div3A_70 = arith.divf %exp3A, %div3A : vector<2048x64xf32>
    %swap3A = arith.constant 0 : index
    %swap3A_71 = arith.constant 0 : index
    %swap3A_72 = vector.load %arg8[%swap3A, %swap3A_71] : memref<2048x64xf32, #tpu.memory_space<vmem>>, vector<2048x64xf32>
    tpu.vector_store %arg8[%swap3A, %swap3A_71], %div3A_70 {strides = array<i32>} : memref<2048x64xf32, #tpu.memory_space<vmem>>, vector<2048x64xf32>,
    return
  }
  func.func @transform_0(%arg0: i32) -> (i32, i32, i32) {
    %c0_i32 = arith.constant 0 : i32
    %c0_i32_0 = arith.constant 0 : i32
    %c0_i32_1 = arith.constant 0 : i32
    return %c0_i32, %arg0, %c0_i32_0 : i32, i32, i32
  }
  func.func @transform_1(%arg0: i32) -> (i32, i32, i32) {
    %c0_i32 = arith.constant 0 : i32
    %c0_i32_0 = arith.constant 0 : i32
    %c0_i32_1 = arith.constant 0 : i32
    return %c0_i32, %c0_i32_0, %arg0 : i32, i32, i32
  }
  func.func @transform_2(%arg0: i32) -> (i32, i32) {
    %c0_i32 = arith.constant 0 : i32
    %c0_i32_0 = arith.constant 0 : i32
    return %arg0, %c0_i32 : i32, i32
  }
  func.func @transform_3(%arg0: i32) -> (i32, i32) {
    %c0_i32 = arith.constant 0 : i32
    %c0_i32_0 = arith.constant 0 : i32
    %c0_i32_1 = arith.constant 0 : i32
    return %c0_i32, %c0_i32_0 : i32, i32
  }
  func.func @transform_4(%arg0: i32) -> (i32, i32) {
    %c0_i32 = arith.constant 0 : i32
    %c0_i32_0 = arith.constant 0 : i32
    %c0_i32_1 = arith.constant 0 : i32
    return %c0_i32, %c0_i32_0 : i32, i32
  }
  func.func @transform_5(%arg0: i32) -> (i32, i32) {
    %c0_i32 = arith.constant 0 : i32
    %c0_i32_0 = arith.constant 0 : i32
    %c0_i32_1 = arith.constant 0 : i32
    return %c0_i32, %c0_i32_0 : i32, i32
  }
  func.func @transform_6(%arg0: i32) -> (i32, i32) {
    %c0_i32 = arith.constant 0 : i32
    %c0_i32_0 = arith.constant 0 : i32
    %c0_i32_1 = arith.constant 0 : i32
    return %c0_i32, %c0_i32_0 : i32, i32
  }
  func.func @transform_7(%arg0: i32) -> (i32, i32) {
    %c0_i32 = arith.constant 0 : i32
    %c0_i32_0 = arith.constant 0 : i32
    return %arg0, %c0_i32 : i32, i32
  }
}

</mosaic_0001>

<sc_bundles>
// kernel: kernel.6.cloned.1.call-start
scs
__scs_entry_jumppad:
0x0: {  	(pc) =	sbr.rel $0x88, $3  }
0x1: {  	(tag) =	ssettag $0x0;
	lr =	simm.s32 $0x1  }
0x2: {  	[smem:$0x3F9A] =	sst lr;
	_ =	strace $0xD0000000  }
0x3: {  	_ = 	snop  }
0x4: {  	_ = 	snop  }
0x5: {  	_ = 	snop  }
0x6: {  	_ = 	snop  }
0x7: {  	_ = 	snop  }
__scs_overlays_trampoline_lowered:
0x8: {  	[smem:$0x3FA9] =	sst s0  }
0x9: {  	[smem:$0x3FAA] =	sst s1  }
0xa: {  	[smem:$0x3FAB] =	sst s2  }
0xb: {  	[smem:$0x3FAC] =	sst s3  }
0xc: {  	[smem:$0x3FAD] =	sst s4  }
0xd: {  	[smem:$0x3FAE] =	sst s5  }
0xe: {  	[smem:$0x3FAF] =	sst s6  }
0xf: {  	[smem:$0x3FB0] =	sst s7  }
0x10: {  	[smem:$0x3FB1] =	sst s8  }
0x11: {  	[smem:$0x3FB2] =	sst s9;
	s0 =	simm.s32 @!p0 $0x0  }
0x12: {  	s1 =	sld [smem:$0x3F98];
	s0 =	simm.s32 @p0 $0x1  }
0x13: {  	[smem:$0x3FB3] =	sst s0;
	s0 =	simm.s32 @!p1 $0x0  }
0x14: {  	s2 =	sld [smem:$0x3F97];
	s0 =	simm.s32 @p1 $0x1  }
0x15: {  	[smem:$0x3FB4] =	sst s0;
	s0 =	simm.s32 @!p2 $0x0  }
0x16: {  	s3 =	sld [smem:$0x3FDB];
	s0 =	simm.s32 @p2 $0x1  }
0x17: {  	s4 =	simm.s32 $0x1BF5;
	[smem:$0x3FB6] =	sst s0  }
0x18: {  	s0 =	sld [smem:$0x3F99];
	_ =	swait.ge [sflag:s4], $0x0  }
0x19: {  	s7 =	sld [smem:$0x3F9A]  }
0x1a: {  	s8 =	sadd.s32 $0xFFFFE003, lr  }
0x1b: {  	s9 =	sadd.s32 $0xFFFFFEF7, lr;
	s5 =	simm.s32 $0xFFFFFFFF;
	p2 =	slt.u32 s8, $0xFFFFF086  }
0x1c: {  	p1 =	slt.u32 s9, $0xF7A;
	s5 =	simm.s32 @!p2 $0x0  }
0x1d: {  	s5 =	simm.s32 @p1 $0x1;
	p0 =	seq.s32 s7, s2  }
0x1e: {  	s7 =	smul.u32 @!p0 $0xF7A, s2;
	p2 =	seq.s32 @!p0 s5, $0x0  }
0x1f: {  	s9 =	smul.u32 $0xF7A, s1;
	s8 =	simm.s32 @!p0 $0x1BF5;
	p2 =	por !p2, p0  }
0x20: {  	[sflag:s8] =	ssyncset.s32 @!p0 $0xFFFFF086;
	s6 =	sadd.s32 @!p0 s3, s7;
	s7 =	simm.s32 @!p0 $0x108  }
0x21: {  	s3 =	sadd.s32 s3, s9;
	s6 =	sadd.s32 @!p0 $0x88, s6;
	s7 =	simm.s32 @p2 $0x1082  }
0x22: {  	[simem:s7], [sflag:s8] =	dma.local @!p0 [hbm:s6], $0xF7A  }
0x23: {  	s9 =	sor.u32 $0xD0000000, s2;
	s6 =	simm.s32 $0x108;
	_ =	swait.ge @!p0 [sflag:s8], $0x0  }
0x24: {  	s3 =	sadd.s32 $0x88, s3;
	s6 =	simm.s32 @!p1 $0x1082;
	[sflag:s4] =	ssyncset.s32 $0xFFFFF086  }
0x25: {  	[simem:s6], [sflag:s4] =	dma.local [hbm:s3], $0xF7A  }
0x26: {  	[smem:$0x3F9A] =	sst s1;
	(tag) =	ssettag s2;
	_ =	strace s9  }
0x27: {  	s1 =	sld [smem:$0x3FAA]  }
0x28: {  	s2 =	sld [smem:$0x3FAB]  }
0x29: {  	s4 =	sld [smem:$0x3FAD]  }
0x2a: {  	p0 =	seq.s32 s5, $0x0;
	s5 =	sld [smem:$0x3FAE]  }
0x2b: {  	s6 =	sld [smem:$0x3FAF]  }
0x2c: {  	s7 =	sld [smem:$0x3FB0]  }
0x2d: {  	s3 =	simm.s32 $0x108;
	s8 =	sld [smem:$0x3FB1]  }
0x2e: {  	s3 =	simm.s32 @!p0 $0x1082;
	s9 =	sld [smem:$0x3FB2]  }
0x2f: {  	lr =	sadd.s32 s0, s3;
	s0 =	sld [smem:$0x3FA9]  }
0x30: {  	s3 =	sld [smem:$0x3FAC]  }
0x31: {  	[smem:$0x3FB5] =	sst s10  }
0x32: {  	s10 =	sld [smem:$0x3FB3];
	_ =	sdelay $0x3  }
0x33: {  	p0 =	seq.s32 s10, $0x1;
	s10 =	sld [smem:$0x3FB5];
	_ =	sdelay $0x3  }
0x34: {  	[smem:$0x3FB5] =	sst s10  }
0x35: {  	s10 =	sld [smem:$0x3FB4];
	_ =	sdelay $0x3  }
0x36: {  	p1 =	seq.s32 s10, $0x1;
	s10 =	sld [smem:$0x3FB5];
	_ =	sdelay $0x3  }
0x37: {  	[smem:$0x3FB5] =	sst s10  }
0x38: {  	s10 =	sld [smem:$0x3FB6]  }
0x39: {  	_ = 	snop;
	(pc) =	sbr.ind lr, $3  }
0x3a: {  	_ = 	snop  }
0x3b: {  	_ = 	snop  }
0x3c: {  	p2 =	seq.s32 s10, $0x1;
	s10 =	sld [smem:$0x3FB5]  }
0x3d: {  	_ =	shalt  }
0x3e: {  	_ =	shalt  }
0x3f: {  	_ =	shalt  }
0x40: {  	_ =	shalt  }
0x41: {  	_ =	shalt  }
0x42: {  	_ =	shalt  }
0x43: {  	_ =	shalt  }
0x44: {  	_ =	shalt  }
0x45: {  	_ =	shalt  }
0x46: {  	_ =	shalt  }
0x47: {  	_ =	shalt  }
0x48: {  	_ =	shalt  }
0x49: {  	_ =	shalt  }
0x4a: {  	_ =	shalt  }
0x4b: {  	_ =	shalt  }
0x4c: {  	_ =	shalt  }
0x4d: {  	_ =	shalt  }
0x4e: {  	_ =	shalt  }
0x4f: {  	_ =	shalt  }
0x50: {  	_ =	shalt  }
0x51: {  	_ =	shalt  }
0x52: {  	_ =	shalt  }
0x53: {  	_ =	shalt  }
0x54: {  	_ =	shalt  }
0x55: {  	_ =	shalt  }
0x56: {  	_ =	shalt  }
0x57: {  	_ =	shalt  }
0x58: {  	_ =	shalt  }
0x59: {  	_ =	shalt  }
0x5a: {  	_ =	shalt  }
0x5b: {  	_ =	shalt  }
0x5c: {  	_ =	shalt  }
0x5d: {  	_ =	shalt  }
0x5e: {  	_ =	shalt  }
0x5f: {  	_ =	shalt  }
0x60: {  	_ =	shalt  }
0x61: {  	_ =	shalt  }
0x62: {  	_ =	shalt  }
0x63: {  	_ =	shalt  }
0x64: {  	_ =	shalt  }
0x65: {  	_ =	shalt  }
0x66: {  	_ =	shalt  }
0x67: {  	_ =	shalt  }
0x68: {  	_ =	shalt  }
0x69: {  	_ =	shalt  }
0x6a: {  	_ =	shalt  }
0x6b: {  	_ =	shalt  }
0x6c: {  	_ =	shalt  }
0x6d: {  	_ =	shalt  }
0x6e: {  	_ =	shalt  }
0x6f: {  	_ =	shalt  }
0x70: {  	_ =	shalt  }
0x71: {  	_ =	shalt  }
0x72: {  	_ =	shalt  }
0x73: {  	_ =	shalt  }
0x74: {  	_ =	shalt  }
0x75: {  	_ =	shalt  }
0x76: {  	_ =	shalt  }
0x77: {  	_ =	shalt  }
0x78: {  	_ =	shalt  }
0x79: {  	_ =	shalt  }
0x7a: {  	_ =	shalt  }
0x7b: {  	_ =	shalt  }
0x7c: {  	_ =	shalt  }
0x7d: {  	_ =	shalt  }
0x7e: {  	_ =	shalt  }
0x7f: {  	_ =	shalt  }
0x80: {  	_ =	shalt  }
0x81: {  	_ =	shalt  }
0x82: {  	_ =	shalt  }
0x83: {  	_ =	shalt  }
0x84: {  	_ =	shalt  }
0x85: {  	_ =	shalt  }
0x86: {  	_ =	shalt  }
0x87: {  	_ =	shalt  }
.Lfunc_end0:
.L_simem_size_0:
called_computation_lowered:
.L_overlay_start_0:
0x88: {  	s2 =	sld [smem:$0x3FD9]  }
0x89: {  	s3 =	sld [smem:$0x3FFE];
	_ =	sdelay $0x1  }
0x8a: {  	s1 =	srdreg.scid  }
0x8b: {  	s0 =	sand.u32 $0x1, s1  }
0x8c: {  	s17 =	sshll.u32 s0, $0xA;
	s2 =	sadd.s32 s3, s2  }
0x8d: {  	s2 =	sadd.s32 s2, s17  }
0x8e: {  	[smem:$0x3FC1] =	sst s2  }
0x8f: {  	_ = 	snop  }
0x90: {  	s2 =	sld [smem:$0x3FD0];
	(tm) =	ssettm $0x1  }
0x91: {  	s18 =	sld [smem:$0x3FFB];
	_ =	sdelay $0x3  }
0x92: {  	_ =	strace s18  }
0x93: {  	s3 =	sld [smem:$0x3FFC];
	_ =	sdelay $0x3  }
0x94: {  	_ =	strace s3  }
0x95: {  	s3 =	sld [smem:$0x3FFD];
	_ =	sdelay $0x3  }
0x96: {  	_ =	strace s3  }
0x97: {  	_ =	strace $0x8FFFFFFF  }
0x98: {  	s19 =	sld [smem:$0x3FDB];
	_ =	sdelay $0x1  }
0x99: {  	s4 =	simm.s32 $_scs_section_size  }
0x9a: {  	s5 =	simm.s32 $_size__tile_overlayer_lowered;
	s6 =	simm.s32 $_tile_overlayer_lowered  }
0x9b: {  	s22 =	simm.s32 $0x1BFF;
	s21 =	sshll.u32 s6, $0x1;
	s3 =	sadd.s32 s4, s19  }
0x9c: {  	s7 =	simm.s32 $0x0;
	s20 =	sshll.u32 s5, $0x1;
	s5 =	sadd.s32 s21, s3  }
0x9d: {  	[timem:s7], [sflag:s22] =	dma.local [hbm:s5], s20  }
0x9e: {  	_ =	swait.ge [sflag:s22], s20  }
0x9f: {  	s4 =	ssub.s32 $0x0, s20;
	[sflag:s22] =	ssyncset.done $0x0  }
0xa0: {  	[sflag:s22] =	ssyncadd.s32 s4;
	_ =	sdelay $0x1  }
0xa1: {  	s23 =	simm.s32 $0x1B8B  }
0xa2: {  	_ =	swait.ge [sflag:s23], $0x1  }
0xa3: {  	[sflag:s23] =	ssyncset.done $0x0  }
0xa4: {  	s25 =	simm.s32 $0x1B8E;
	s24 =	sld [smem:$0x3FFE];
	[sflag:s23] =	ssyncadd.s32 $0xFFFFFFFF  }
0xa5: {  	s26 =	simm.s32 $execute0_lowered;
	[smem:$0x3FD2] =	sst s25  }
0xa6: {  	s5 =	sshll.u32 s26, $0x1;
	_ =	strace $0x80000046;
	[dreg:$0x1] =	wrdreg $0xFFFFFFFF  }
0xa7: {  	s28 =	simm.s32 $_size_execute0_lowered;
	s3 =	sadd.s32 s3, s5;
	[dreg:$0x0] =	wrdreg $0x0  }
0xa8: {  	s5 =	sshll.u32 s28, $0x1;
	[dreg:$0x2] =	wrdreg s3  }
0xa9: {  	[dreg:$0x3] =	wrdreg s5  }
0xaa: {  	[dreg:$0x4] =	wrdreg $0xC0  }
0xab: {  	_ =	task [dreg:s7], $0x5FFFF  }
0xac: {  	[dreg:$0x1] =	wrdreg $0xFFFFFFFF  }
0xad: {  	[dreg:$0x0] =	wrdreg $0x60  }
0xae: {  	[dreg:$0x2] =	wrdreg s2  }
0xaf: {  	[dreg:$0x3] =	wrdreg s24  }
0xb0: {  	[dreg:$0x4] =	wrdreg $0x80800  }
0xb1: {  	[dreg:$0x5] =	wrdreg $0x83000  }
0xb2: {  	[dreg:$0x6] =	wrdreg $0x9  }
0xb3: {  	_ =	task.clear_ibuf [dreg:s7], $0x7FFFF;
	_ =	strace $0x90000046  }
0xb4: {  	s29 =	simm.s32 $0x9;
	_ =	strace $0x80000048  }
0xb5: {  	_ =	swait.ge [sflag:s29], $0x1  }
0xb6: {  	[sflag:s29] =	ssyncadd.s32 $0xFFFFFFFF  }
0xb7: {  	_ =	strace $0x90000048  }
0xb8: {  	_ =	sfence  }
0xb9: {  	s30 =	sld [smem:$0x0];
	_ =	sdelay $0x2  }
0xba: {  	s31 =	sshll.u32 s1, $0xD;
	s1 =	sshrl.u32 s1, $0x2  }
0xbb: {  	s3 =	sand.u32 $0x4000, s31;
	s1 =	sadd.s32 s1, s30  }
0xbc: {  	s0 =	sor.u32 s3, s0;
	s1 =	sshll.u32 s1, $0x11  }
0xbd: {  	s0 =	sor.u32 s1, s0  }
0xbe: {  	s0 =	sadd.s32 $0x8F2B, s0  }
0xbf: {  	[sflag:s0] =	ssyncadd.remote.s32 $0x1  }
0xc0: {  	_ =	sfence.sel $0xFFFF  }
0xc1: {  	[dreg:$0x0] =	wrdreg $0xFFFFFFFF;
	(pc) =	sbr.abs _section_cstart, $3  }
0xc2: {  	[dreg:$0x1] =	wrdreg $0xFFFFFFFF  }
0xc3: {  	_ =	task.clear_ibuf [dreg:s7], $0x2FFFF;
	_ =	strace $0x9FFFFFFF  }
0xc4: {  	(tm) =	ssettm $0x7FFFFFFF  }
0xc5: {  	_ =	shalt  }
tec
execute0_lowered:
.L_overlay_start_1:
0x0: {  	(tag) =	ssettag $0x1  }
0x1: {  	s6 =	rddreg [dreg:$0x0]  }
0x2: {  	s7 =	rddreg [dreg:$0x1]  }
0x3: {  	s1 =	rddreg [dreg:$0x2]  }
0x4: {  	s2 =	rddreg [dreg:$0x3]  }
0x5: {  	s0 =	rddreg [dreg:$0x4]  }
0x6: {  	s4 =	srdreg.scid;
	s3 =	simm.s32 $0x0;
	s15 =	stileid.u32  }
0x7: {  	s16 =	simm.s32 $0x50;
	s20 =	simm.s32 $0x0;
	s5 =	sand.u32 $0x1, s4  }
0x8: {  	s8 =	sshll.u32 s15, $0xB;
	s10 =	smul.u32 $0x280, s15;
	[smem:$0x7FF] =	sst s3  }
0x9: {  	p0 =	sne.s32 s15, $0x0;
	s17 =	sshll.u32 s15, $0x6;
	s4 =	sshll.u32 s5, $0xF  }
0xa: {  	s9 =	smul.u32 $0x5000, s5;
	_ =	strace $0x80000047;
	s12 =	ssub.s32 $0x2, s5  }
0xb: {  	s5 =	sadd.s32 $0x1BE00, s7;
	s14 =	sshrl.u32 @!p0 s1, $0x3;
	s15 =	sshrl.u32 @!p0 s2, $0x3  }
0xc: {  	s17 =	sor.u32 $0x1C01, s17;
	s8 =	sor.u32 s8, s4;
	s4 =	sadd.s32 $0x1B800, s7  }
0xd: {  	s13 =	sshrl.u32 s12, $0x1;
	s18 =	sadd.s32 s10, s1;
	s19 =	sadd.s32 s10, s2  }
0xe: {  	s11 =	sadd.s32 s8, s7;
	s9 =	sadd.s32 s10, s9;
	s12 =	ssub.s32 s12, s13  }
0xf: {  	s6 =	sadd.s32 s6, s8;
	s13 =	simm.s32 $0x8000;
	s18 =	sshrl.u32 s18, $0x3  }
0x10: {  	s19 =	sshrl.u32 s19, $0x3;
	s9 =	sshrl.u32 s9, $0x3;
	s10 =	smax.u32 s12, $0x1  }
0x11: {  	s12 =	simm.s32 $0x4000;
	s9 =	sadd.s32 s9, s7;
	s7 =	sadd.s32 $0xB800, s11  }
0x12: {  	s11 =	simm.s32 $0x1;
	s8 =	sadd.s32 $0x1C000, s9;
	s9 =	sadd.s32 $0x1C500, s9  }
.LBB2_1:
0x13: {  	[tilespmem:s3], [sflag:$0x1] =	stream.linear.gather [hbm4b:s6+s3], $0x3E80, $0x38;
	[tilespmem:$0x8580] =	vst v63  }
0x14: {  	_ =	swait.ge [sflag:s11], $0x3E80  }
0x15: {  	[sflag:s11] =	ssyncset.done $0x0  }
0x16: {  	[sflag:s11] =	ssyncadd.s32 $0xFFFFC180  }
0x17: {  	[tilespmem:s12], [sflag:$0x1] =	stream.linear.gather [hbm4b:s7+s3], $0x3E80, $0x38;
	[tilespmem:$0x8580] =	vst v63  }
0x18: {  	_ =	swait.ge [sflag:s11], $0x3E80  }
0x19: {  	[sflag:s11] =	ssyncset.done $0x0  }
0x1a: {  	[sflag:s11] =	ssyncadd.s32 $0xFFFFC180  }
0x1b: {  	[tilespmem:s13], [sflag:$0x1] =	stream.linear.gather [hbm4b:s5+s3], $0x80, $0x38;
	[tilespmem:$0x8580] =	vst v63  }
0x1c: {  	_ =	swait.ge [sflag:s11], $0x80  }
0x1d: {  	[sflag:s11] =	ssyncset.done $0x0  }
0x1e: {  	s21 =	simm.s32 @!p0 $0x1C01;
	s22 =	simm.s32 @!p0 $0x1;
	[sflag:s11] =	ssyncadd.s32 $0xFFFFFF80  }
0x1f: {  	[spmem:s14], [sflag:s21] =	dma.local @!p0 [hbm:s4], $0x500  }
0x20: {  	_ =	swait.ge @!p0 [sflag:s22], $0x500  }
0x21: {  	[sflag:s22] =	ssyncset.done @!p0 $0x0  }
0x22: {  	[sflag:s22] =	ssyncadd.s32 @!p0 $0xFFFFFB00  }
0x23: {  	[spmem:s15], [sflag:s21] =	dma.local @!p0 [hbm:s4], $0x500  }
0x24: {  	_ =	swait.ge @!p0 [sflag:s22], $0x500  }
0x25: {  	[sflag:s22] =	ssyncset.done @!p0 $0x0  }
0x26: {  	[sflag:s22] =	ssyncadd.s32 @!p0 $0xFFFFFB00  }
0x27: {  	s30 =	simm.s32 $0x0;
	[bflag:$0x0] =	sbarrier.arrive $0xFFFF  }
0x28: {  	[spmem:s1] =	stream.indirect.scatter.add.f32 [tilespmem:s13], [sflag:$0x1], $0x1, s30, s16, $0xb8;
	[tilespmem:$0x8580] =	vst v63  }
0x29: {  	_ =	swait.ge [sflag:s11], $0x50  }
0x2a: {  	[sflag:s11] =	ssyncset.done $0x0  }
0x2b: {  	s31 =	simm.s32 $0x4000;
	[sflag:s11] =	ssyncadd.s32 $0xFFFFFFB0  }
0x2c: {  	[spmem:s2] =	stream.indirect.scatter.add.f32 [tilespmem:s13], [sflag:$0x1], $0x1, s31, s16, $0xb8;
	[tilespmem:$0x8580] =	vst v63  }
0x2d: {  	_ =	swait.ge [sflag:s11], $0x50  }
0x2e: {  	s21 =	simm.s32 $0x200;
	s22 =	simm.s32 $0x400;
	[sflag:s11] =	ssyncset.done $0x0  }
.LBB2_2:
0x2f: {  	s23 =	sshra.s32 s21, $0x2  }
0x30: {  	[sflag:s11] =	ssyncadd.s32 $0xFFFFFFB0;
	s21 =	smov.u32 s22;
	s24 =	sadd.s32 $0x200, s22  }
0x31: {  	[spmem:s1] =	stream.indirect.scatter.add.f32 [tilespmem:s13], [sflag:$0x1], $0x1, s23, s16, $0xb8;
	[tilespmem:$0x8580] =	vst v63  }
0x32: {  	p1 =	sne.s32 s22, $0xF800;
	_ =	swait.ge [sflag:s11], $0x50  }
.Ltmp0:
0x33: {  	[sflag:s11] =	ssyncset.done $0x0;
	(pc) =	sbr.rel @p1 .LBB2_2-.Ltmp0, $4  }
0x34: {  	s22 =	sadd.s32 $0x4000, s23;
	[sflag:s11] =	ssyncadd.s32 $0xFFFFFFB0  }
0x35: {  	[spmem:s2] =	stream.indirect.scatter.add.f32 [tilespmem:s13], [sflag:$0x1], $0x1, s22, s16, $0xb8;
	[tilespmem:$0x8580] =	vst v63  }
0x36: {  	_ =	swait.ge [sflag:s11], $0x50  }
0x37: {  	s22 =	smov.u32 s24;
	[sflag:s11] =	ssyncset.done $0x0  }
0x38: {  	s21 =	sshra.s32 s21, $0x2;
	[sflag:s11] =	ssyncadd.s32 $0xFFFFFFB0  }
0x39: {  	[spmem:s1] =	stream.indirect.scatter.add.f32 [tilespmem:s13], [sflag:$0x1], $0x1, s21, s16, $0xb8;
	[tilespmem:$0x8580] =	vst v63  }
0x3a: {  	_ =	swait.ge [sflag:s11], $0x50  }
0x3b: {  	[sflag:s11] =	ssyncset.done $0x0  }
0x3c: {  	s21 =	sadd.s32 $0x4000, s21;
	[sflag:s11] =	ssyncadd.s32 $0xFFFFFFB0  }
0x3d: {  	[spmem:s2] =	stream.indirect.scatter.add.f32 [tilespmem:s13], [sflag:$0x1], $0x1, s21, s16, $0xb8;
	[tilespmem:$0x8580] =	vst v63  }
0x3e: {  	_ =	swait.ge [sflag:s11], $0x50  }
0x3f: {  	[sflag:s11] =	ssyncset.done $0x0  }
0x40: {  	[sflag:s11] =	ssyncadd.s32 $0xFFFFFFB0  }
0x41: {  	[bflag:$0x0] =	sbarrier.arrive $0xFFFF  }
0x42: {  	[hbm:s8], [sflag:s17] =	dma.local [spmem:s18], $0x50  }
0x43: {  	s20 =	sadd.s32 $0x1, s20;
	_ =	swait.ge [sflag:s11], $0x50  }
0x44: {  	p1 =	sne.s32 s20, s10;
	[sflag:s11] =	ssyncset.done $0x0  }
.Ltmp1:
0x45: {  	[sflag:s11] =	ssyncadd.s32 $0xFFFFFFB0;
	(pc) =	sbr.rel @p1 .LBB2_1-.Ltmp1, $4  }
0x46: {  	[hbm:s9], [sflag:s17] =	dma.local [spmem:s19], $0x50  }
0x47: {  	_ =	swait.ge [sflag:s11], $0x50  }
0x48: {  	[sflag:s11] =	ssyncset.done $0x0  }
0x49: {  	[sflag:s11] =	ssyncadd.s32 $0xFFFFFFB0  }
0x4a: {  	_ =	sfence.sel $0x180000  }
0x4b: {  	[bflag:$0x0] =	sbarrier.arrive $0xFFFF  }
0x4c: {  	_ =	strace $0x90000047  }
0x4d: {  	s0 =	sadd.s32 @!p0 $0x100000, s0;
	[bflag:$0x2] =	sbarrier.arrive $0xFFFF  }
0x4e: {  	[sflag:s0] =	ssyncadd.tile.s32 @!p0 $0x1;
	_ =	shalt  }
.Lfunc_end2:
_tile_overlayer_lowered:
.L_overlay_start_2:
0x4f: {  	(tag) =	ssettag $0x2  }
0x50: {  	s0 =	rddreg [dreg:$0x0];
	s2 =	stileid.u32  }
0x51: {  	s1 =	rddreg [dreg:$0x1];
	p0 =	sne.s32 s2, $0x0  }
0x52: {  	s3 =	rddreg [dreg:$0x2];
	[bflag:$0x3] =	sbarrier.arrive $0xFFFF;
	s2 =	simm.s32 @!p0 $0x1C01  }
0x53: {  	[timem:s3], [sflag:s2] =	dma.local @!p0 [hbm:s0], s1  }
0x54: {  	s0 =	simm.s32 @!p0 $0x1  }
0x55: {  	_ =	swait.ge @!p0 [sflag:s0], s1  }
0x56: {  	s1 =	ssub.s32 @!p0 $0x0, s1;
	[sflag:s0] =	ssyncset.done @!p0 $0x0  }
0x57: {  	[sflag:s0] =	ssyncadd.s32 @!p0 s1  }
0x58: {  	[bflag:$0x3] =	sbarrier.arrive $0xFFFF  }
0x59: {  	_ =	shalt  }

// kernel: kernel.9.cloned.1.call-start
scs
__scs_entry_jumppad:
0x0: {  	(pc) =	sbr.rel $0x88, $3  }
0x1: {  	(tag) =	ssettag $0x0;
	lr =	simm.s32 $0x1  }
0x2: {  	[smem:$0x3F9A] =	sst lr;
	_ =	strace $0xD0000000  }
0x3: {  	_ = 	snop  }
0x4: {  	_ = 	snop  }
0x5: {  	_ = 	snop  }
0x6: {  	_ = 	snop  }
0x7: {  	_ = 	snop  }
__scs_overlays_trampoline_lowered:
0x8: {  	[smem:$0x3FA9] =	sst s0  }
0x9: {  	[smem:$0x3FAA] =	sst s1  }
0xa: {  	[smem:$0x3FAB] =	sst s2  }
0xb: {  	[smem:$0x3FAC] =	sst s3  }
0xc: {  	[smem:$0x3FAD] =	sst s4  }
0xd: {  	[smem:$0x3FAE] =	sst s5  }
0xe: {  	[smem:$0x3FAF] =	sst s6  }
0xf: {  	[smem:$0x3FB0] =	sst s7  }
0x10: {  	[smem:$0x3FB1] =	sst s8  }
0x11: {  	[smem:$0x3FB2] =	sst s9;
	s0 =	simm.s32 @!p0 $0x0  }
0x12: {  	s1 =	sld [smem:$0x3F98];
	s0 =	simm.s32 @p0 $0x1  }
0x13: {  	[smem:$0x3FB3] =	sst s0;
	s0 =	simm.s32 @!p1 $0x0  }
0x14: {  	s2 =	sld [smem:$0x3F97];
	s0 =	simm.s32 @p1 $0x1  }
0x15: {  	[smem:$0x3FB4] =	sst s0;
	s0 =	simm.s32 @!p2 $0x0  }
0x16: {  	s3 =	sld [smem:$0x3FDB];
	s0 =	simm.s32 @p2 $0x1  }
0x17: {  	s4 =	simm.s32 $0x1BF5;
	[smem:$0x3FB6] =	sst s0  }
0x18: {  	s0 =	sld [smem:$0x3F99];
	_ =	swait.ge [sflag:s4], $0x0  }
0x19: {  	s7 =	sld [smem:$0x3F9A]  }
0x1a: {  	s8 =	sadd.s32 $0xFFFFE003, lr  }
0x1b: {  	s9 =	sadd.s32 $0xFFFFFEF7, lr;
	s5 =	simm.s32 $0xFFFFFFFF;
	p2 =	slt.u32 s8, $0xFFFFF086  }
0x1c: {  	p1 =	slt.u32 s9, $0xF7A;
	s5 =	simm.s32 @!p2 $0x0  }
0x1d: {  	s5 =	simm.s32 @p1 $0x1;
	p0 =	seq.s32 s7, s2  }
0x1e: {  	s7 =	smul.u32 @!p0 $0xF7A, s2;
	p2 =	seq.s32 @!p0 s5, $0x0  }
0x1f: {  	s9 =	smul.u32 $0xF7A, s1;
	s8 =	simm.s32 @!p0 $0x1BF5;
	p2 =	por !p2, p0  }
0x20: {  	[sflag:s8] =	ssyncset.s32 @!p0 $0xFFFFF086;
	s6 =	sadd.s32 @!p0 s3, s7;
	s7 =	simm.s32 @!p0 $0x108  }
0x21: {  	s3 =	sadd.s32 s3, s9;
	s6 =	sadd.s32 @!p0 $0x88, s6;
	s7 =	simm.s32 @p2 $0x1082  }
0x22: {  	[simem:s7], [sflag:s8] =	dma.local @!p0 [hbm:s6], $0xF7A  }
0x23: {  	s9 =	sor.u32 $0xD0000000, s2;
	s6 =	simm.s32 $0x108;
	_ =	swait.ge @!p0 [sflag:s8], $0x0  }
0x24: {  	s3 =	sadd.s32 $0x88, s3;
	s6 =	simm.s32 @!p1 $0x1082;
	[sflag:s4] =	ssyncset.s32 $0xFFFFF086  }
0x25: {  	[simem:s6], [sflag:s4] =	dma.local [hbm:s3], $0xF7A  }
0x26: {  	[smem:$0x3F9A] =	sst s1;
	(tag) =	ssettag s2;
	_ =	strace s9  }
0x27: {  	s1 =	sld [smem:$0x3FAA]  }
0x28: {  	s2 =	sld [smem:$0x3FAB]  }
0x29: {  	s4 =	sld [smem:$0x3FAD]  }
0x2a: {  	p0 =	seq.s32 s5, $0x0;
	s5 =	sld [smem:$0x3FAE]  }
0x2b: {  	s6 =	sld [smem:$0x3FAF]  }
0x2c: {  	s7 =	sld [smem:$0x3FB0]  }
0x2d: {  	s3 =	simm.s32 $0x108;
	s8 =	sld [smem:$0x3FB1]  }
0x2e: {  	s3 =	simm.s32 @!p0 $0x1082;
	s9 =	sld [smem:$0x3FB2]  }
0x2f: {  	lr =	sadd.s32 s0, s3;
	s0 =	sld [smem:$0x3FA9]  }
0x30: {  	s3 =	sld [smem:$0x3FAC]  }
0x31: {  	[smem:$0x3FB5] =	sst s10  }
0x32: {  	s10 =	sld [smem:$0x3FB3];
	_ =	sdelay $0x3  }
0x33: {  	p0 =	seq.s32 s10, $0x1;
	s10 =	sld [smem:$0x3FB5];
	_ =	sdelay $0x3  }
0x34: {  	[smem:$0x3FB5] =	sst s10  }
0x35: {  	s10 =	sld [smem:$0x3FB4];
	_ =	sdelay $0x3  }
0x36: {  	p1 =	seq.s32 s10, $0x1;
	s10 =	sld [smem:$0x3FB5];
	_ =	sdelay $0x3  }
0x37: {  	[smem:$0x3FB5] =	sst s10  }
0x38: {  	s10 =	sld [smem:$0x3FB6]  }
0x39: {  	_ = 	snop;
	(pc) =	sbr.ind lr, $3  }
0x3a: {  	_ = 	snop  }
0x3b: {  	_ = 	snop  }
0x3c: {  	p2 =	seq.s32 s10, $0x1;
	s10 =	sld [smem:$0x3FB5]  }
0x3d: {  	_ =	shalt  }
0x3e: {  	_ =	shalt  }
0x3f: {  	_ =	shalt  }
0x40: {  	_ =	shalt  }
0x41: {  	_ =	shalt  }
0x42: {  	_ =	shalt  }
0x43: {  	_ =	shalt  }
0x44: {  	_ =	shalt  }
0x45: {  	_ =	shalt  }
0x46: {  	_ =	shalt  }
0x47: {  	_ =	shalt  }
0x48: {  	_ =	shalt  }
0x49: {  	_ =	shalt  }
0x4a: {  	_ =	shalt  }
0x4b: {  	_ =	shalt  }
0x4c: {  	_ =	shalt  }
0x4d: {  	_ =	shalt  }
0x4e: {  	_ =	shalt  }
0x4f: {  	_ =	shalt  }
0x50: {  	_ =	shalt  }
0x51: {  	_ =	shalt  }
0x52: {  	_ =	shalt  }
0x53: {  	_ =	shalt  }
0x54: {  	_ =	shalt  }
0x55: {  	_ =	shalt  }
0x56: {  	_ =	shalt  }
0x57: {  	_ =	shalt  }
0x58: {  	_ =	shalt  }
0x59: {  	_ =	shalt  }
0x5a: {  	_ =	shalt  }
0x5b: {  	_ =	shalt  }
0x5c: {  	_ =	shalt  }
0x5d: {  	_ =	shalt  }
0x5e: {  	_ =	shalt  }
0x5f: {  	_ =	shalt  }
0x60: {  	_ =	shalt  }
0x61: {  	_ =	shalt  }
0x62: {  	_ =	shalt  }
0x63: {  	_ =	shalt  }
0x64: {  	_ =	shalt  }
0x65: {  	_ =	shalt  }
0x66: {  	_ =	shalt  }
0x67: {  	_ =	shalt  }
0x68: {  	_ =	shalt  }
0x69: {  	_ =	shalt  }
0x6a: {  	_ =	shalt  }
0x6b: {  	_ =	shalt  }
0x6c: {  	_ =	shalt  }
0x6d: {  	_ =	shalt  }
0x6e: {  	_ =	shalt  }
0x6f: {  	_ =	shalt  }
0x70: {  	_ =	shalt  }
0x71: {  	_ =	shalt  }
0x72: {  	_ =	shalt  }
0x73: {  	_ =	shalt  }
0x74: {  	_ =	shalt  }
0x75: {  	_ =	shalt  }
0x76: {  	_ =	shalt  }
0x77: {  	_ =	shalt  }
0x78: {  	_ =	shalt  }
0x79: {  	_ =	shalt  }
0x7a: {  	_ =	shalt  }
0x7b: {  	_ =	shalt  }
0x7c: {  	_ =	shalt  }
0x7d: {  	_ =	shalt  }
0x7e: {  	_ =	shalt  }
0x7f: {  	_ =	shalt  }
0x80: {  	_ =	shalt  }
0x81: {  	_ =	shalt  }
0x82: {  	_ =	shalt  }
0x83: {  	_ =	shalt  }
0x84: {  	_ =	shalt  }
0x85: {  	_ =	shalt  }
0x86: {  	_ =	shalt  }
0x87: {  	_ =	shalt  }
.Lfunc_end0:
.L_simem_size_0:
called_computation.1_lowered:
.L_overlay_start_0:
0x88: {  	s2 =	sld [smem:$0x3FD9]  }
0x89: {  	s3 =	sld [smem:$0x3FFE];
	_ =	sdelay $0x1  }
0x8a: {  	s1 =	srdreg.scid  }
0x8b: {  	s0 =	sand.u32 $0x1, s1  }
0x8c: {  	s16 =	sshll.u32 s0, $0xA;
	s2 =	sadd.s32 s3, s2  }
0x8d: {  	s2 =	sadd.s32 s2, s16  }
0x8e: {  	[smem:$0x3FC1] =	sst s2  }
0x8f: {  	_ = 	snop  }
0x90: {  	(tm) =	ssettm $0x1  }
0x91: {  	s17 =	sld [smem:$0x3FFB];
	_ =	sdelay $0x3  }
0x92: {  	_ =	strace s17  }
0x93: {  	s2 =	sld [smem:$0x3FFC];
	_ =	sdelay $0x3  }
0x94: {  	_ =	strace s2  }
0x95: {  	s2 =	sld [smem:$0x3FFD];
	_ =	sdelay $0x3  }
0x96: {  	_ =	strace s2  }
0x97: {  	_ =	strace $0x8FFFFFFF  }
0x98: {  	s18 =	sld [smem:$0x3FDB];
	_ =	sdelay $0x1  }
0x99: {  	s19 =	simm.s32 $_scs_section_size  }
0x9a: {  	s4 =	simm.s32 $_size__tile_overlayer_lowered;
	s5 =	simm.s32 $_tile_overlayer_lowered  }
0x9b: {  	s22 =	simm.s32 $0x1BFF;
	s21 =	sshll.u32 s5, $0x1;
	s2 =	sadd.s32 s19, s18  }
0x9c: {  	s6 =	simm.s32 $0x0;
	s20 =	sshll.u32 s4, $0x1;
	s4 =	sadd.s32 s21, s2  }
0x9d: {  	[timem:s6], [sflag:s22] =	dma.local [hbm:s4], s20  }
0x9e: {  	_ =	swait.ge [sflag:s22], s20  }
0x9f: {  	s3 =	ssub.s32 $0x0, s20;
	[sflag:s22] =	ssyncset.done $0x0  }
0xa0: {  	[sflag:s22] =	ssyncadd.s32 s3;
	_ =	sdelay $0x1  }
0xa1: {  	s23 =	simm.s32 $0x1B8B  }
0xa2: {  	_ =	swait.ge [sflag:s23], $0x1  }
0xa3: {  	[sflag:s23] =	ssyncset.done $0x0  }
0xa4: {  	s25 =	simm.s32 $0x1B8E;
	s24 =	sld [smem:$0x3FFE];
	[sflag:s23] =	ssyncadd.s32 $0xFFFFFFFF  }
0xa5: {  	s26 =	simm.s32 $execute0_lowered;
	[smem:$0x3FD2] =	sst s25  }
0xa6: {  	s4 =	sshll.u32 s26, $0x1;
	_ =	strace $0x80000049;
	[dreg:$0x1] =	wrdreg $0xFFFFFFFF  }
0xa7: {  	s28 =	simm.s32 $_size_execute0_lowered;
	s2 =	sadd.s32 s2, s4;
	[dreg:$0x0] =	wrdreg $0x0  }
0xa8: {  	s4 =	sshll.u32 s28, $0x1;
	[dreg:$0x2] =	wrdreg s2  }
0xa9: {  	[dreg:$0x3] =	wrdreg s4  }
0xaa: {  	[dreg:$0x4] =	wrdreg $0xC0  }
0xab: {  	_ =	task [dreg:s6], $0x5FFFF  }
0xac: {  	[dreg:$0x1] =	wrdreg $0xFFFFFFFF  }
0xad: {  	[dreg:$0x0] =	wrdreg $0x60  }
0xae: {  	[dreg:$0x2] =	wrdreg s24  }
0xaf: {  	[dreg:$0x3] =	wrdreg $0xB7800  }
0xb0: {  	[dreg:$0x4] =	wrdreg $0x9  }
0xb1: {  	_ =	task.clear_ibuf [dreg:s6], $0x5FFFF;
	_ =	strace $0x90000049  }
0xb2: {  	s29 =	simm.s32 $0x9;
	_ =	strace $0x8000004B  }
0xb3: {  	_ =	swait.ge [sflag:s29], $0x1  }
0xb4: {  	[sflag:s29] =	ssyncadd.s32 $0xFFFFFFFF  }
0xb5: {  	_ =	strace $0x9000004B  }
0xb6: {  	_ =	sfence  }
0xb7: {  	s30 =	sld [smem:$0x0];
	_ =	sdelay $0x2  }
0xb8: {  	s31 =	sshll.u32 s1, $0xD;
	s1 =	sshrl.u32 s1, $0x2  }
0xb9: {  	s3 =	sand.u32 $0x4000, s31;
	s1 =	sadd.s32 s1, s30  }
0xba: {  	s0 =	sor.u32 s3, s0;
	s1 =	sshll.u32 s1, $0x11  }
0xbb: {  	s0 =	sor.u32 s1, s0  }
0xbc: {  	s0 =	sadd.s32 $0x8F2B, s0  }
0xbd: {  	[sflag:s0] =	ssyncadd.remote.s32 $0x1  }
0xbe: {  	_ =	sfence.sel $0xFFFF  }
0xbf: {  	[dreg:$0x0] =	wrdreg $0xFFFFFFFF;
	(pc) =	sbr.abs _section_cstart, $3  }
0xc0: {  	[dreg:$0x1] =	wrdreg $0xFFFFFFFF  }
0xc1: {  	_ =	task.clear_ibuf [dreg:s6], $0x2FFFF;
	_ =	strace $0x9FFFFFFF  }
0xc2: {  	(tm) =	ssettm $0x7FFFFFFF  }
0xc3: {  	_ =	shalt  }
tec
execute0_lowered:
.L_overlay_start_1:
0x0: {  	(tag) =	ssettag $0x1  }
0x1: {  	s0 =	srdreg.scid;
	s7 =	rddreg [dreg:$0x0]  }
0x2: {  	s1 =	rddreg [dreg:$0x1];
	s11 =	stileid.u32;
	s2 =	simm.s32 $0x0  }
0x3: {  	s17 =	simm.s32 $0x6780;
	s18 =	simm.s32 $0x8F80;
	s19 =	simm.s32 $0x1  }
0x4: {  	s20 =	simm.s32 $0x2;
	s21 =	simm.s32 $0x6580;
	s22 =	simm.s32 $0x0  }
0x5: {  	s4 =	sand.u32 $0x1, s0;
	s0 =	rddreg [dreg:$0x2];
	s8 =	smul.u32 $0x13800, s11  }
0x6: {  	[smem:$0x7FF] =	sst s2;
	s12 =	smul.u32 $0x4E000, s11;
	s13 =	sadd.s32 $0x6AA00, s7  }
0x7: {  	s16 =	sadd.s32 $0x138000, s1;
	p0 =	sne.s32 s11, $0x0;
	s31 =	sshll.u32 s11, $0x6  }
0x8: {  	s3 =	sshll.u32 s4, $0x4;
	_ =	strace $0x8000004A;
	s10 =	ssub.s32 $0x2, s4  }
0x9: {  	s29 =	smul.u32 $0x140000, s4;
	s3 =	sor.u32 s11, s3;
	s9 =	sshrl.u32 s8, $0x3  }
0xa: {  	s14 =	sshrl.u32 s10, $0x1;
	s12 =	sshrl.u32 s12, $0x2;
	s11 =	simm.s32 $0x3  }
0xb: {  	s5 =	smul.u32 $0x4E2, s3;
	s6 =	sshll.u32 s3, $0xB;
	s3 =	sadd.s32 $0x1B800, s7  }
0xc: {  	s9 =	sadd.s32 s9, s7;
	s10 =	ssub.s32 s10, s14;
	s15 =	sadd.s32 s12, s1  }
0xd: {  	s8 =	sadd.s32 s8, s29;
	s30 =	sshrl.u32 s29, $0x3;
	s12 =	simm.s32 $0x2780  }
0xe: {  	s6 =	sadd.s32 s6, s7;
	s8 =	sshrl.u32 s8, $0x3;
	s10 =	smax.u32 s10, $0x1  }
0xf: {  	s14 =	sshrl.u32 s15, $0x3;
	s15 =	sshrl.u32 @!p0 s16, $0x3;
	s5 =	sadd.s32 s5, s7  }
0x10: {  	s16 =	simm.s32 $0x50;
	s7 =	sadd.s32 $0x6A800, s7;
	s4 =	sadd.s32 $0x1A00, s5  }
0x11: {  	s5 =	sadd.s32 $0xB800, s6;
	s6 =	sadd.s32 $0x43800, s9;
	s9 =	sadd.s32 s13, s30  }
0x12: {  	s8 =	sadd.s32 s13, s8;
	s13 =	sor.u32 $0x1C03, s31;
	s9 =	sadd.s32 $0x27000, s9  }
.LBB2_1:
0x13: {  	[tilespmem:s2], [sflag:$0x3] =	stream.linear.gather [hbm4b:s4+s2], $0x2710, $0x38;
	[tilespmem:$0x1F000] =	vst v63  }
0x14: {  	_ =	swait.ge [sflag:s11], $0x2710  }
0x15: {  	[sflag:s11] =	ssyncset.done $0x0  }
0x16: {  	[sflag:s11] =	ssyncadd.s32 $0xFFFFD8F0  }
0x17: {  	[tilespmem:s12], [sflag:$0x3] =	stream.linear.gather [hbm4b:s5+s2], $0x3E80, $0x38;
	[tilespmem:$0x1F000] =	vst v63  }
0x18: {  	_ =	swait.ge [sflag:s11], $0x3E80  }
0x19: {  	[sflag:s11] =	ssyncset.done $0x0  }
0x1a: {  	[sflag:s11] =	ssyncadd.s32 $0xFFFFC180  }
0x1b: {  	[spmem:s14], [sflag:s13] =	dma.local [hbm:s6], $0x2700  }
0x1c: {  	_ =	swait.ge [sflag:s11], $0x2700  }
0x1d: {  	[sflag:s11] =	ssyncset.done $0x0  }
0x1e: {  	s23 =	simm.s32 @!p0 $0x3;
	[sflag:s11] =	ssyncadd.s32 $0xFFFFD900  }
0x1f: {  	[spmem:s15], [sflag:s13] =	dma.local @!p0 [hbm:s7], $0x100  }
0x20: {  	_ =	swait.ge @!p0 [sflag:s23], $0x100  }
0x21: {  	[sflag:s23] =	ssyncset.done @!p0 $0x0  }
0x22: {  	[sflag:s23] =	ssyncadd.s32 @!p0 $0xFFFFFF00  }
0x23: {  	[bflag:$0x0] =	sbarrier.arrive $0xFFFF  }
0x24: {  	[tilespmem:s17], [sflag:$0x1] =	stream.indirect.gather [hbm4b:s3+s16], $0x80, s2, s16, $0xb8;
	[tilespmem:$0x1F000] =	vst v63  }
0x25: {  	s28 =	simm.s32 $0x50  }
0x26: {  	[tilespmem:s18], [sflag:$0x2] =	stream.indirect.gather [hbm4b:s3+s16], $0x80, s28, s16, $0xb8;
	[tilespmem:$0x1F000] =	vst v63  }
0x27: {  	_ =	swait.ge [sflag:s19], $0x2800  }
0x28: {  	[sflag:s19] =	ssyncset.done $0x0  }
0x29: {  	s29 =	simm.s32 $0x2780;
	[sflag:s19] =	ssyncadd.s32 $0xFFFFD800  }
0x2a: {  	[spmem:s1] =	stream.indirect.scatter.add.f32 [tilespmem:s17], [sflag:$0x3], $0x80, s29, s16, $0xb8;
	[tilespmem:$0x1F000] =	vst v63  }
0x2b: {  	_ =	swait.ge [sflag:s11], $0x2800  }
0x2c: {  	[sflag:s11] =	ssyncset.done $0x0  }
0x2d: {  	s30 =	simm.s32 $0xA0;
	[sflag:s11] =	ssyncadd.s32 $0xFFFFD800  }
0x2e: {  	[tilespmem:s17], [sflag:$0x1] =	stream.indirect.gather [hbm4b:s3+s16], $0x80, s30, s16, $0xb8;
	[tilespmem:$0x1F000] =	vst v63  }
0x2f: {  	_ =	swait.ge [sflag:s20], $0x2800  }
0x30: {  	[sflag:s20] =	ssyncset.done $0x0  }
0x31: {  	s31 =	simm.s32 $0x2800;
	[sflag:s20] =	ssyncadd.s32 $0xFFFFD800  }
0x32: {  	[spmem:s1] =	stream.indirect.scatter.add.f32 [tilespmem:s18], [sflag:$0x3], $0x80, s31, s16, $0xb8;
	[tilespmem:$0x1F000] =	vst v63  }
0x33: {  	s24 =	simm.s32 $0x400;
	_ =	swait.ge [sflag:s11], $0x2800  }
0x34: {  	s25 =	simm.s32 $0x800;
	s23 =	simm.s32 $0x140;
	[sflag:s11] =	ssyncset.done $0x0  }
.LBB2_2:
0x35: {  	p1 =	sne.s32 s25, $0xF400;
	s26 =	sadd.s32 $0xFFFFFFB0, s23;
	[sflag:s11] =	ssyncadd.s32 $0xFFFFD800  }
0x36: {  	[tilespmem:s18], [sflag:$0x2] =	stream.indirect.gather [hbm4b:s3+s16], $0x80, s26, s16, $0xb8;
	[tilespmem:$0x1F000] =	vst v63  }
0x37: {  	s26 =	smov.u32 s25;
	s25 =	sadd.s32 $0x400, s25;
	_ =	swait.ge [sflag:s19], $0x2800  }
0x38: {  	s28 =	sshra.s32 s24, $0x2;
	s24 =	smov.u32 s26;
	[sflag:s19] =	ssyncset.done $0x0  }
0x39: {  	s26 =	sadd.s32 $0x2780, s28;
	[sflag:s19] =	ssyncadd.s32 $0xFFFFD800  }
0x3a: {  	[spmem:s1] =	stream.indirect.scatter.add.f32 [tilespmem:s17], [sflag:$0x3], $0x80, s26, s16, $0xb8;
	[tilespmem:$0x1F000] =	vst v63  }
0x3b: {  	_ =	swait.ge [sflag:s11], $0x2800  }
0x3c: {  	[sflag:s11] =	ssyncset.done $0x0  }
0x3d: {  	[sflag:s11] =	ssyncadd.s32 $0xFFFFD800  }
0x3e: {  	[tilespmem:s17], [sflag:$0x1] =	stream.indirect.gather [hbm4b:s3+s16], $0x80, s23, s16, $0xb8;
	[tilespmem:$0x1F000] =	vst v63  }
0x3f: {  	_ =	swait.ge [sflag:s20], $0x2800  }
.Ltmp0:
0x40: {  	[sflag:s20] =	ssyncset.done $0x0;
	(pc) =	sbr.rel @p1 .LBB2_2-.Ltmp0, $4  }
0x41: {  	s26 =	sadd.s32 $0x2800, s28;
	[sflag:s20] =	ssyncadd.s32 $0xFFFFD800  }
0x42: {  	[spmem:s1] =	stream.indirect.scatter.add.f32 [tilespmem:s18], [sflag:$0x3], $0x80, s26, s16, $0xb8;
	[tilespmem:$0x1F000] =	vst v63  }
0x43: {  	_ =	swait.ge [sflag:s11], $0x2800  }
0x44: {  	s23 =	sadd.s32 $0xA0, s23;
	[sflag:s11] =	ssyncset.done $0x0  }
0x45: {  	s25 =	sadd.s32 $0xFFFFFFB0, s23;
	[sflag:s11] =	ssyncadd.s32 $0xFFFFD800  }
0x46: {  	[tilespmem:s18], [sflag:$0x2] =	stream.indirect.gather [hbm4b:s3+s16], $0x80, s25, s16, $0xb8;
	[tilespmem:$0x1F000] =	vst v63  }
0x47: {  	_ =	swait.ge [sflag:s19], $0x2800  }
0x48: {  	s24 =	sshra.s32 s24, $0x2;
	[sflag:s19] =	ssyncset.done $0x0  }
0x49: {  	s30 =	sadd.s32 $0x2780, s24;
	[sflag:s19] =	ssyncadd.s32 $0xFFFFD800  }
0x4a: {  	[spmem:s1] =	stream.indirect.scatter.add.f32 [tilespmem:s17], [sflag:$0x3], $0x80, s30, s16, $0xb8;
	[tilespmem:$0x1F000] =	vst v63  }
0x4b: {  	_ =	swait.ge [sflag:s11], $0x2800  }
0x4c: {  	[sflag:s11] =	ssyncset.done $0x0  }
0x4d: {  	[sflag:s11] =	ssyncadd.s32 $0xFFFFD800  }
0x4e: {  	[tilespmem:s17], [sflag:$0x1] =	stream.indirect.gather [hbm4b:s3+s16], $0x80, s23, s16, $0xb8;
	[tilespmem:$0x1F000] =	vst v63  }
0x4f: {  	_ =	swait.ge [sflag:s20], $0x2800  }
0x50: {  	[sflag:s20] =	ssyncset.done $0x0  }
0x51: {  	s31 =	sadd.s32 $0x2800, s24;
	[sflag:s20] =	ssyncadd.s32 $0xFFFFD800  }
0x52: {  	[spmem:s1] =	stream.indirect.scatter.add.f32 [tilespmem:s18], [sflag:$0x3], $0x80, s31, s16, $0xb8;
	[tilespmem:$0x1F000] =	vst v63  }
0x53: {  	_ =	swait.ge [sflag:s11], $0x2800  }
0x54: {  	[sflag:s11] =	ssyncset.done $0x0  }
0x55: {  	[sflag:s11] =	ssyncadd.s32 $0xFFFFD800  }
0x56: {  	_ =	swait.ge [sflag:s19], $0x2800  }
0x57: {  	[sflag:s19] =	ssyncset.done $0x0  }
0x58: {  	[sflag:s19] =	ssyncadd.s32 $0xFFFFD800  }
0x59: {  	[spmem:s1] =	stream.indirect.scatter.add.f32 [tilespmem:s17], [sflag:$0x3], $0x80, s21, s16, $0xb8;
	[tilespmem:$0x1F000] =	vst v63  }
0x5a: {  	_ =	swait.ge [sflag:s11], $0x2800  }
0x5b: {  	[sflag:s11] =	ssyncset.done $0x0  }
0x5c: {  	[sflag:s11] =	ssyncadd.s32 $0xFFFFD800  }
0x5d: {  	[bflag:$0x0] =	sbarrier.arrive $0xFFFF  }
0x5e: {  	[hbm:s8], [sflag:s13] =	dma.local [spmem:s14], $0x2700  }
0x5f: {  	s22 =	sadd.s32 $0x1, s22;
	_ =	swait.ge [sflag:s11], $0x2700  }
0x60: {  	p1 =	sne.s32 s22, s10;
	[sflag:s11] =	ssyncset.done $0x0  }
.Ltmp1:
0x61: {  	s23 =	simm.s32 @!p0 $0x3;
	[sflag:s11] =	ssyncadd.s32 $0xFFFFD900;
	(pc) =	sbr.rel @p1 .LBB2_1-.Ltmp1, $4  }
0x62: {  	[hbm:s9], [sflag:s13] =	dma.local @!p0 [spmem:s15], $0x100  }
0x63: {  	_ =	swait.ge @!p0 [sflag:s23], $0x100  }
0x64: {  	[sflag:s23] =	ssyncset.done @!p0 $0x0  }
0x65: {  	[sflag:s23] =	ssyncadd.s32 @!p0 $0xFFFFFF00  }
0x66: {  	_ =	sfence.sel $0x180000  }
0x67: {  	[bflag:$0x0] =	sbarrier.arrive $0xFFFF  }
0x68: {  	_ =	strace $0x9000004A  }
0x69: {  	s0 =	sadd.s32 @!p0 $0x100000, s0;
	[bflag:$0x2] =	sbarrier.arrive $0xFFFF  }
0x6a: {  	[sflag:s0] =	ssyncadd.tile.s32 @!p0 $0x1;
	_ =	shalt  }
.Lfunc_end2:
_tile_overlayer_lowered:
.L_overlay_start_2:
0x6b: {  	(tag) =	ssettag $0x2  }
0x6c: {  	s0 =	rddreg [dreg:$0x0];
	s2 =	stileid.u32  }
0x6d: {  	s1 =	rddreg [dreg:$0x1];
	p0 =	sne.s32 s2, $0x0  }
0x6e: {  	s3 =	rddreg [dreg:$0x2];
	[bflag:$0x3] =	sbarrier.arrive $0xFFFF;
	s2 =	simm.s32 @!p0 $0x1C03  }
0x6f: {  	[timem:s3], [sflag:s2] =	dma.local @!p0 [hbm:s0], s1  }
0x70: {  	s0 =	simm.s32 @!p0 $0x3  }
0x71: {  	_ =	swait.ge @!p0 [sflag:s0], s1  }
0x72: {  	s1 =	ssub.s32 @!p0 $0x0, s1;
	[sflag:s0] =	ssyncset.done @!p0 $0x0  }
0x73: {  	[sflag:s0] =	ssyncadd.s32 @!p0 s1  }
0x74: {  	[bflag:$0x3] =	sbarrier.arrive $0xFFFF  }
0x75: {  	_ =	shalt  }

</sc_bundles>
